<compile_context>
chip_gen: v7x
topology: tpu7x:2x2x1
jax: 0.10.2.dev20260603
libtpu: 0.0.44.dev20260713+nightly
codegen_flags: <defaults>
</compile_context>

<pallas_src>
import functools

import jax
import jax.numpy as jnp
from jax import lax
from jax.experimental import pallas as pl
from jax.experimental.pallas import tpu as pltpu
from jax.experimental.pallas import tpu_sc as plsc

NC = 2
NS = 16
CHUNK = 128


LOAD = 128


def _sc_segment_partials(occ, idx, nr_pad):
    n, d = occ.shape
    assert n % LOAD == 0
    nloads_total = n // LOAD
    nw = NC * NS
    max_loads = (nloads_total + nw - 1) // nw
    rows_per_tile = nr_pad // NS
    assert rows_per_tile * NS == nr_pad and rows_per_tile % 8 == 0
    zrows = 128
    assert rows_per_tile % zrows == 0
    zeros = jnp.zeros((zrows, d), jnp.float32)

    mesh = plsc.VectorSubcoreMesh(core_axis_name="c", subcore_axis_name="s")

    @functools.partial(
        pl.kernel,
        out_type=jax.ShapeDtypeStruct((NC, nr_pad, d), jnp.float32),
        mesh=mesh,
        scratch_types=[
            pltpu.VMEM_SHARED((nr_pad, d), jnp.float32),
            pltpu.VMEM((2, LOAD, d), jnp.float32),
            pltpu.VMEM((2, CHUNK), jnp.int32),
            pltpu.SemaphoreType.DMA((2,)),
            pltpu.SemaphoreType.DMA((2,)),
            pltpu.SemaphoreType.DMA,
        ],
    )
    def k(occ_hbm, idx_hbm, zeros_hbm, part_hbm, acc, rows_v, idx_v,
          rsem, isem, zsem):
        cid = lax.axis_index("c")
        sid = lax.axis_index("s")
        wid = sid * NC + cid
        nl = (nloads_total - wid + nw - 1) // nw

        def start_load(slot, li):
            c = wid + li * nw
            pltpu.async_copy(occ_hbm.at[pl.ds(c * LOAD, LOAD)],
                             rows_v.at[slot], rsem.at[slot])
            pltpu.async_copy(idx_hbm.at[pl.ds(c * CHUNK, CHUNK)],
                             idx_v.at[slot], isem.at[slot])

        def wait_load(slot):
            pltpu.make_async_copy(occ_hbm.at[pl.ds(0, LOAD)],
                                  rows_v.at[slot], rsem.at[slot]).wait()
            pltpu.make_async_copy(idx_hbm.at[pl.ds(0, CHUNK)],
                                  idx_v.at[slot], isem.at[slot]).wait()

        start_load(0, 0)
        start_load(1, 1)
        for j in range(rows_per_tile // zrows):
            pltpu.async_copy(
                zeros_hbm, acc.at[pl.ds(sid * rows_per_tile + j * zrows, zrows)],
                zsem)
        for j in range(rows_per_tile // zrows):
            pltpu.make_async_copy(
                zeros_hbm, acc.at[pl.ds(sid * rows_per_tile, zrows)],
                zsem).wait()
        plsc.subcore_barrier()

        def outer(o, carry):
            for b in range(2):
                li = o * 2 + b

                @pl.when(li < nl)
                def _():
                    wait_load(b)
                    pltpu.sync_copy(rows_v.at[b], acc.at[idx_v.at[b]],
                                    add=True)

                    @pl.when(li + 2 < nl)
                    def _():
                        start_load(b, li + 2)
            return carry

        lax.fori_loop(0, (max_loads + 1) // 2, outer, 0)
        plsc.subcore_barrier()
        for j in range(rows_per_tile // zrows):
            sl = pl.ds(sid * rows_per_tile + j * zrows, zrows)
            pltpu.async_copy(acc.at[sl], part_hbm.at[cid, sl], zsem)
        for j in range(rows_per_tile // zrows):
            pltpu.make_async_copy(acc.at[pl.ds(sid * rows_per_tile, zrows)],
                                  part_hbm.at[cid, pl.ds(0, zrows)], zsem).wait()

    return k(occ, idx, zeros)


def _gate_kernel(p_ref, prev_ref, w0_ref, w1_ref, b_ref, out_ref):
    p0 = p_ref[0]
    p1 = p_ref[1]
    upd = p0 + p1
    prev = prev_ref[...]
    logits = (
        jnp.dot(prev, w0_ref[...], preferred_element_type=jnp.float32)
        + jnp.dot(upd, w1_ref[...], preferred_element_type=jnp.float32)
        + b_ref[...]
    )
    z = jax.nn.sigmoid(logits)
    out_ref[...] = z * prev + (1.0 - z) * upd


def _tc_gate(partials, prev, w_gate, b_gate):
    nr_nodes, d = prev.shape
    blk = 2000
    assert nr_nodes % blk == 0
    grid = nr_nodes // blk
    w0 = w_gate[:d]
    w1 = w_gate[d:]
    b2 = b_gate.reshape(1, d)
    return pl.pallas_call(
        _gate_kernel,
        grid=(grid,),
        in_specs=[
            pl.BlockSpec((2, blk, d), lambda i: (0, i, 0)),
            pl.BlockSpec((blk, d), lambda i: (i, 0)),
            pl.BlockSpec((d, d), lambda i: (0, 0)),
            pl.BlockSpec((d, d), lambda i: (0, 0)),
            pl.BlockSpec((1, d), lambda i: (0, 0)),
        ],
        out_specs=pl.BlockSpec((blk, d), lambda i: (i, 0)),
        out_shape=jax.ShapeDtypeStruct((nr_nodes, d), jnp.float32),
    )(partials, prev, w0, w1, b2)


def kernel(flattened_nodes_occurrences, flattened_nodes_indices,
           previous_cfg_nodes_encodings, nr_cfg_nodes, W_gate, b_gate):
    idx = flattened_nodes_indices.astype(jnp.int32)
    nr_nodes = previous_cfg_nodes_encodings.shape[0]
    nr_pad = ((nr_nodes + NS * 128 - 1) // (NS * 128)) * NS * 128
    partials = _sc_segment_partials(flattened_nodes_occurrences, idx, nr_pad)
    return _tc_gate(partials, previous_cfg_nodes_encodings, W_gate, b_gate)

# --- scband reference (transcript-rebuilt; emitter-appended) ---
"""Pipeline reference for scband-scatter-cfgencoded-ngrams-to-cfgnode-encodings-32134945308872 (READ-ONLY COPY).

The authoritative reference and input builder live on the scoring server;
editing this copy changes nothing except your own understanding.
"""

import jax, jax.numpy as jnp
import numpy as np

N = 320000
NR_CFG_NODES = 10000
D = 128

def setup_inputs(seed: int = 0) -> dict:
    key = jax.random.key(seed)
    k1, k2, k3, k4 = jax.random.split(key, 4)
    flattened_nodes_occurrences = jax.random.normal(k1, (N, D), dtype=jnp.float32)
    flattened_nodes_indices = jax.random.randint(k2, (N,), 0, NR_CFG_NODES, dtype=jnp.int64)
    previous_cfg_nodes_encodings = jax.random.normal(k3, (NR_CFG_NODES, D), dtype=jnp.float32)
    # Gate parameters: z = sigmoid([prev; update] @ W_gate + b_gate)
    W_gate = jax.random.normal(k4, (2 * D, D), dtype=jnp.float32) * 0.05
    b_gate = jnp.zeros((D,), dtype=jnp.float32)
    return {
        'flattened_nodes_occurrences': flattened_nodes_occurrences,
        'flattened_nodes_indices': flattened_nodes_indices,
        'previous_cfg_nodes_encodings': previous_cfg_nodes_encodings,
        'nr_cfg_nodes': NR_CFG_NODES,
        'W_gate': W_gate,
        'b_gate': b_gate,
    }

def reference(flattened_nodes_occurrences, flattened_nodes_indices, previous_cfg_nodes_encodings, nr_cfg_nodes, W_gate, b_gate):
    # ScatterCombiner with combining_method='sum': scatter-add ngram node
    # occurrence encodings into per-cfg-node slots (segment sum).
    updated_cfg_nodes_encodings = jax.ops.segment_sum(
        flattened_nodes_occurrences,
        flattened_nodes_indices,
        num_segments=previous_cfg_nodes_encodings.shape[0],
    )
    # Gate(previous_state, state_update): GRU-style convex gate.
    gate_in = jnp.concatenate([previous_cfg_nodes_encodings, updated_cfg_nodes_encodings], axis=-1)
    b_gate_eff = b_gate + 0.0 * jnp.asarray(nr_cfg_nodes, dtype=b_gate.dtype)
    z = jax.nn.sigmoid(gate_in @ W_gate + b_gate_eff)
    new_cfg_nodes_encodings = z * previous_cfg_nodes_encodings + (1.0 - z) * updated_cfg_nodes_encodings
    return new_cfg_nodes_encodings

if __name__ == "__main__":
    import jax
    _d = setup_inputs()
    print(jax.jit(kernel)(*tuple(_d.values())))

</pallas_src>

<mosaic_0001>
#map = affine_map<(d0, d1) -> (0, 0)>
#map1 = affine_map<(d0, d1) -> (0)>
#map2 = affine_map<(d0, d1) -> (0, 0, 0)>
module attributes {stable_mosaic.version = 14 : i64} {
  func.func @k(%arg0: i32, %arg1: i32, %arg2: memref<320000x128xf32, #tpu.memory_space<hbm>>, %arg3: memref<320000xi32, #tpu.memory_space<hbm>>, %arg4: memref<128x128xf32, #tpu.memory_space<hbm>>, %arg5: memref<2x10240x128xf32, #tpu.memory_space<hbm>>, %arg6: memref<10240x128xf32, #tpu.memory_space<vmem_shared>>, %arg7: memref<2x128x128xf32, #tpu.memory_space<vmem>>, %arg8: memref<2x128xi32, #tpu.memory_space<vmem>>, %arg9: memref<2x!tpu.dma_semaphore, #tpu.memory_space<semaphore_mem>>, %arg10: memref<2x!tpu.dma_semaphore, #tpu.memory_space<semaphore_mem>>, %arg11: memref<!tpu.dma_semaphore, #tpu.memory_space<semaphore_mem>>) attributes {dimension_semantics = [#tpu.dimension_semantics<core_parallel>, #tpu.dimension_semantics<subcore_parallel>], iteration_bounds = array<i64: 2, 16>, scalar_prefetch = 0 : i64, scratch_operands = 6 : i64, tpu.core_type = #tpu.core_type<sc_vector_subcore>, window_params = [{transform_indices = #map}, {transform_indices = #map1}, {transform_indices = #map}, {transform_indices = #map2}]} {
    %mul3A = arith.constant 2 : i32
    %mul3A_0 = arith.muli %arg1, %mul3A : i32
    %add3A = arith.addi %mul3A_0, %arg0 : i32
    %sub3A = arith.constant 2500 : i32
    %sub3A_1 = arith.subi %sub3A, %add3A : i32
    %add3A_2 = arith.constant 32 : i32
    %add3A_3 = arith.addi %sub3A_1, %add3A_2 : i32
    %sub3A_4 = arith.constant 1 : i32
    %sub3A_5 = arith.subi %add3A_3, %sub3A_4 : i32
    %jit3A = arith.constant 32 : i32
    %div3A = arith.divsi %sub3A_5, %jit3A : i32
    %sign3A = arith.constant 0 : i32
    %sign3A_6 = arith.cmpi sgt, %sub3A_5, %sign3A : i32
    %sign3A_7 = arith.extui %sign3A_6 : i1 to i32
    %sign3A_8 = arith.constant 0 : i32
    %sign3A_9 = arith.cmpi slt, %sub3A_5, %sign3A_8 : i32
    %sign3A_10 = arith.extui %sign3A_9 : i1 to i32
    %sign3A_11 = arith.subi %sign3A_7, %sign3A_10 : i32
    %sign3A_12 = arith.constant 0 : i32
    %sign3A_13 = arith.cmpi sgt, %jit3A, %sign3A_12 : i32
    %sign3A_14 = arith.extui %sign3A_13 : i1 to i32
    %sign3A_15 = arith.constant 0 : i32
    %sign3A_16 = arith.cmpi slt, %jit3A, %sign3A_15 : i32
    %sign3A_17 = arith.extui %sign3A_16 : i1 to i32
    %sign3A_18 = arith.subi %sign3A_14, %sign3A_17 : i32
    %ne3A = arith.cmpi ne, %sign3A_11, %sign3A_18 : i32
    %rem3A = arith.remsi %sub3A_5, %jit3A : i32
    %ne3A_19 = arith.constant 0 : i32
    %ne3A_20 = arith.cmpi ne, %rem3A, %ne3A_19 : i32
    %and3A = arith.andi %ne3A, %ne3A_20 : i1
    %sub3A_21 = arith.constant 1 : i32
    %sub3A_22 = arith.subi %div3A, %sub3A_21 : i32
    %select_n3A = arith.select %and3A, %sub3A_22, %div3A : i32
    %add3A_23 = arith.constant 0 : i32
    %add3A_24 = arith.addi %add3A, %add3A_23 : i32
    %mul3A_25 = arith.constant 128 : i32
    %mul3A_26 = arith.muli %add3A_24, %mul3A_25 : i32
    %dma_start3A = arith.constant 0 : i32
    %dma_start3A_27 = arith.constant 0 : i32
    %dma_start3A_28 = arith.constant 0 : i32
    %dma_start3A_29 = arith.constant 0 : i32
    %dma_start3A_30 = tpu.memref_slice %arg7[%dma_start3A, %dma_start3A_28, %dma_start3A_29] : memref<2x128x128xf32, #tpu.memory_space<vmem>> -> memref<1x128x128xf32, #tpu.memory_space<vmem>>
    %dma_start3A_31 = tpu.memref_squeeze %dma_start3A_30 : memref<1x128x128xf32, #tpu.memory_space<vmem>> -> memref<128x128xf32, #tpu.memory_space<vmem>>
    %dma_start3A_32 = arith.constant 0 : i32
    %dma_start3A_33 = tpu.memref_slice %arg2[%mul3A_26, %dma_start3A_32] : memref<320000x128xf32, #tpu.memory_space<hbm>> -> memref<128x128xf32, #tpu.memory_space<hbm>>
    %dma_start3A_34 = tpu.memref_slice %arg9[%dma_start3A_27] : memref<2x!tpu.dma_semaphore, #tpu.memory_space<semaphore_mem>> -> memref<1x!tpu.dma_semaphore, #tpu.memory_space<semaphore_mem>>
    %dma_start3A_35 = tpu.memref_squeeze %dma_start3A_34 : memref<1x!tpu.dma_semaphore, #tpu.memory_space<semaphore_mem>> -> memref<!tpu.dma_semaphore, #tpu.memory_space<semaphore_mem>>
    %dma_start3A_36 = arith.constant 0 : i32
    %dma_start3A_37 = arith.constant 0 : i32
    %dma_start3A_38 = tpu.memref_slice %arg7[%dma_start3A, %dma_start3A_36, %dma_start3A_37] : memref<2x128x128xf32, #tpu.memory_space<vmem>> -> memref<1x128x128xf32, #tpu.memory_space<vmem>>
    %dma_start3A_39 = tpu.memref_squeeze %dma_start3A_38 : memref<1x128x128xf32, #tpu.memory_space<vmem>> -> memref<128x128xf32, #tpu.memory_space<vmem>>
    %dma_start3A_40 = arith.constant 0 : i32
    %dma_start3A_41 = tpu.memref_slice %arg2[%mul3A_26, %dma_start3A_40] : memref<320000x128xf32, #tpu.memory_space<hbm>> -> memref<128x128xf32, #tpu.memory_space<hbm>>
    tpu.enqueue_dma source(%dma_start3A_41 : memref<128x128xf32, #tpu.memory_space<hbm>>) target(%dma_start3A_39 : memref<128x128xf32, #tpu.memory_space<vmem>>) target_semaphore(%dma_start3A_35 : memref<!tpu.dma_semaphore, #tpu.memory_space<semaphore_mem>>)
    %mul3A_42 = arith.constant 128 : i32
    %mul3A_43 = arith.muli %add3A_24, %mul3A_42 : i32
    %dma_start3A_44 = arith.constant 0 : i32
    %dma_start3A_45 = arith.constant 0 : i32
    %dma_start3A_46 = arith.constant 0 : i32
    %dma_start3A_47 = tpu.memref_slice %arg8[%dma_start3A_44, %dma_start3A_46] : memref<2x128xi32, #tpu.memory_space<vmem>> -> memref<1x128xi32, #tpu.memory_space<vmem>>
    %dma_start3A_48 = tpu.memref_squeeze %dma_start3A_47 : memref<1x128xi32, #tpu.memory_space<vmem>> -> memref<128xi32, #tpu.memory_space<vmem>>
    %dma_start3A_49 = tpu.memref_slice %arg3[%mul3A_43] : memref<320000xi32, #tpu.memory_space<hbm>> -> memref<128xi32, #tpu.memory_space<hbm>>
    %dma_start3A_50 = tpu.memref_slice %arg10[%dma_start3A_45] : memref<2x!tpu.dma_semaphore, #tpu.memory_space<semaphore_mem>> -> memref<1x!tpu.dma_semaphore, #tpu.memory_space<semaphore_mem>>
    %dma_start3A_51 = tpu.memref_squeeze %dma_start3A_50 : memref<1x!tpu.dma_semaphore, #tpu.memory_space<semaphore_mem>> -> memref<!tpu.dma_semaphore, #tpu.memory_space<semaphore_mem>>
    %dma_start3A_52 = arith.constant 0 : i32
    %dma_start3A_53 = tpu.memref_slice %arg8[%dma_start3A_44, %dma_start3A_52] : memref<2x128xi32, #tpu.memory_space<vmem>> -> memref<1x128xi32, #tpu.memory_space<vmem>>
    %dma_start3A_54 = tpu.memref_squeeze %dma_start3A_53 : memref<1x128xi32, #tpu.memory_space<vmem>> -> memref<128xi32, #tpu.memory_space<vmem>>
    %dma_start3A_55 = tpu.memref_slice %arg3[%mul3A_43] : memref<320000xi32, #tpu.memory_space<hbm>> -> memref<128xi32, #tpu.memory_space<hbm>>
    tpu.enqueue_dma source(%dma_start3A_55 : memref<128xi32, #tpu.memory_space<hbm>>) target(%dma_start3A_54 : memref<128xi32, #tpu.memory_space<vmem>>) target_semaphore(%dma_start3A_51 : memref<!tpu.dma_semaphore, #tpu.memory_space<semaphore_mem>>)
    %add3A_56 = arith.constant 32 : i32
    %add3A_57 = arith.addi %add3A, %add3A_56 : i32
    %mul3A_58 = arith.constant 128 : i32
    %mul3A_59 = arith.muli %add3A_57, %mul3A_58 : i32
    %dma_start3A_60 = arith.constant 1 : i32
    %dma_start3A_61 = arith.constant 1 : i32
    %dma_start3A_62 = arith.constant 0 : i32
    %dma_start3A_63 = arith.constant 0 : i32
    %dma_start3A_64 = tpu.memref_slice %arg7[%dma_start3A_60, %dma_start3A_62, %dma_start3A_63] : memref<2x128x128xf32, #tpu.memory_space<vmem>> -> memref<1x128x128xf32, #tpu.memory_space<vmem>>
    %dma_start3A_65 = tpu.memref_squeeze %dma_start3A_64 : memref<1x128x128xf32, #tpu.memory_space<vmem>> -> memref<128x128xf32, #tpu.memory_space<vmem>>
    %dma_start3A_66 = arith.constant 0 : i32
    %dma_start3A_67 = tpu.memref_slice %arg2[%mul3A_59, %dma_start3A_66] : memref<320000x128xf32, #tpu.memory_space<hbm>> -> memref<128x128xf32, #tpu.memory_space<hbm>>
    %dma_start3A_68 = tpu.memref_slice %arg9[%dma_start3A_61] : memref<2x!tpu.dma_semaphore, #tpu.memory_space<semaphore_mem>> -> memref<1x!tpu.dma_semaphore, #tpu.memory_space<semaphore_mem>>
    %dma_start3A_69 = tpu.memref_squeeze %dma_start3A_68 : memref<1x!tpu.dma_semaphore, #tpu.memory_space<semaphore_mem>> -> memref<!tpu.dma_semaphore, #tpu.memory_space<semaphore_mem>>
    %dma_start3A_70 = arith.constant 0 : i32
    %dma_start3A_71 = arith.constant 0 : i32
    %dma_start3A_72 = tpu.memref_slice %arg7[%dma_start3A_60, %dma_start3A_70, %dma_start3A_71] : memref<2x128x128xf32, #tpu.memory_space<vmem>> -> memref<1x128x128xf32, #tpu.memory_space<vmem>>
    %dma_start3A_73 = tpu.memref_squeeze %dma_start3A_72 : memref<1x128x128xf32, #tpu.memory_space<vmem>> -> memref<128x128xf32, #tpu.memory_space<vmem>>
    %dma_start3A_74 = arith.constant 0 : i32
    %dma_start3A_75 = tpu.memref_slice %arg2[%mul3A_59, %dma_start3A_74] : memref<320000x128xf32, #tpu.memory_space<hbm>> -> memref<128x128xf32, #tpu.memory_space<hbm>>
    tpu.enqueue_dma source(%dma_start3A_75 : memref<128x128xf32, #tpu.memory_space<hbm>>) target(%dma_start3A_73 : memref<128x128xf32, #tpu.memory_space<vmem>>) target_semaphore(%dma_start3A_69 : memref<!tpu.dma_semaphore, #tpu.memory_space<semaphore_mem>>)
    %mul3A_76 = arith.constant 128 : i32
    %mul3A_77 = arith.muli %add3A_57, %mul3A_76 : i32
    %dma_start3A_78 = arith.constant 1 : i32
    %dma_start3A_79 = arith.constant 1 : i32
    %dma_start3A_80 = arith.constant 0 : i32
    %dma_start3A_81 = tpu.memref_slice %arg8[%dma_start3A_78, %dma_start3A_80] : memref<2x128xi32, #tpu.memory_space<vmem>> -> memref<1x128xi32, #tpu.memory_space<vmem>>
    %dma_start3A_82 = tpu.memref_squeeze %dma_start3A_81 : memref<1x128xi32, #tpu.memory_space<vmem>> -> memref<128xi32, #tpu.memory_space<vmem>>
    %dma_start3A_83 = tpu.memref_slice %arg3[%mul3A_77] : memref<320000xi32, #tpu.memory_space<hbm>> -> memref<128xi32, #tpu.memory_space<hbm>>
    %dma_start3A_84 = tpu.memref_slice %arg10[%dma_start3A_79] : memref<2x!tpu.dma_semaphore, #tpu.memory_space<semaphore_mem>> -> memref<1x!tpu.dma_semaphore, #tpu.memory_space<semaphore_mem>>
    %dma_start3A_85 = tpu.memref_squeeze %dma_start3A_84 : memref<1x!tpu.dma_semaphore, #tpu.memory_space<semaphore_mem>> -> memref<!tpu.dma_semaphore, #tpu.memory_space<semaphore_mem>>
    %dma_start3A_86 = arith.constant 0 : i32
    %dma_start3A_87 = tpu.memref_slice %arg8[%dma_start3A_78, %dma_start3A_86] : memref<2x128xi32, #tpu.memory_space<vmem>> -> memref<1x128xi32, #tpu.memory_space<vmem>>
    %dma_start3A_88 = tpu.memref_squeeze %dma_start3A_87 : memref<1x128xi32, #tpu.memory_space<vmem>> -> memref<128xi32, #tpu.memory_space<vmem>>
    %dma_start3A_89 = tpu.memref_slice %arg3[%mul3A_77] : memref<320000xi32, #tpu.memory_space<hbm>> -> memref<128xi32, #tpu.memory_space<hbm>>
    tpu.enqueue_dma source(%dma_start3A_89 : memref<128xi32, #tpu.memory_space<hbm>>) target(%dma_start3A_88 : memref<128xi32, #tpu.memory_space<vmem>>) target_semaphore(%dma_start3A_85 : memref<!tpu.dma_semaphore, #tpu.memory_space<semaphore_mem>>)
    %mul3A_90 = arith.constant 640 : i32
    %mul3A_91 = arith.muli %arg1, %mul3A_90 : i32
    %add3A_92 = arith.constant 0 : i32
    %add3A_93 = arith.addi %mul3A_91, %add3A_92 : i32
    %dma_start3A_94 = arith.constant 0 : i32
    %dma_start3A_95 = tpu.memref_slice %arg6[%add3A_93, %dma_start3A_94] : memref<10240x128xf32, #tpu.memory_space<vmem_shared>> -> memref<128x128xf32, #tpu.memory_space<vmem_shared>>
    tpu.enqueue_dma source(%arg4 : memref<128x128xf32, #tpu.memory_space<hbm>>) target(%dma_start3A_95 : memref<128x128xf32, #tpu.memory_space<vmem_shared>>) target_semaphore(%arg11 : memref<!tpu.dma_semaphore, #tpu.memory_space<semaphore_mem>>)
    %mul3A_96 = arith.constant 640 : i32
    %mul3A_97 = arith.muli %arg1, %mul3A_96 : i32
    %add3A_98 = arith.constant 128 : i32
    %add3A_99 = arith.addi %mul3A_97, %add3A_98 : i32
    %dma_start3A_100 = arith.constant 0 : i32
    %dma_start3A_101 = tpu.memref_slice %arg6[%add3A_99, %dma_start3A_100] : memref<10240x128xf32, #tpu.memory_space<vmem_shared>> -> memref<128x128xf32, #tpu.memory_space<vmem_shared>>
    tpu.enqueue_dma source(%arg4 : memref<128x128xf32, #tpu.memory_space<hbm>>) target(%dma_start3A_101 : memref<128x128xf32, #tpu.memory_space<vmem_shared>>) target_semaphore(%arg11 : memref<!tpu.dma_semaphore, #tpu.memory_space<semaphore_mem>>)
    %mul3A_102 = arith.constant 640 : i32
    %mul3A_103 = arith.muli %arg1, %mul3A_102 : i32
    %add3A_104 = arith.constant 256 : i32
    %add3A_105 = arith.addi %mul3A_103, %add3A_104 : i32
    %dma_start3A_106 = arith.constant 0 : i32
    %dma_start3A_107 = tpu.memref_slice %arg6[%add3A_105, %dma_start3A_106] : memref<10240x128xf32, #tpu.memory_space<vmem_shared>> -> memref<128x128xf32, #tpu.memory_space<vmem_shared>>
    tpu.enqueue_dma source(%arg4 : memref<128x128xf32, #tpu.memory_space<hbm>>) target(%dma_start3A_107 : memref<128x128xf32, #tpu.memory_space<vmem_shared>>) target_semaphore(%arg11 : memref<!tpu.dma_semaphore, #tpu.memory_space<semaphore_mem>>)
    %mul3A_108 = arith.constant 640 : i32
    %mul3A_109 = arith.muli %arg1, %mul3A_108 : i32
    %add3A_110 = arith.constant 384 : i32
    %add3A_111 = arith.addi %mul3A_109, %add3A_110 : i32
    %dma_start3A_112 = arith.constant 0 : i32
    %dma_start3A_113 = tpu.memref_slice %arg6[%add3A_111, %dma_start3A_112] : memref<10240x128xf32, #tpu.memory_space<vmem_shared>> -> memref<128x128xf32, #tpu.memory_space<vmem_shared>>
    tpu.enqueue_dma source(%arg4 : memref<128x128xf32, #tpu.memory_space<hbm>>) target(%dma_start3A_113 : memref<128x128xf32, #tpu.memory_space<vmem_shared>>) target_semaphore(%arg11 : memref<!tpu.dma_semaphore, #tpu.memory_space<semaphore_mem>>)
    %mul3A_114 = arith.constant 640 : i32
    %mul3A_115 = arith.muli %arg1, %mul3A_114 : i32
    %add3A_116 = arith.constant 512 : i32
    %add3A_117 = arith.addi %mul3A_115, %add3A_116 : i32
    %dma_start3A_118 = arith.constant 0 : i32
    %dma_start3A_119 = tpu.memref_slice %arg6[%add3A_117, %dma_start3A_118] : memref<10240x128xf32, #tpu.memory_space<vmem_shared>> -> memref<128x128xf32, #tpu.memory_space<vmem_shared>>
    tpu.enqueue_dma source(%arg4 : memref<128x128xf32, #tpu.memory_space<hbm>>) target(%dma_start3A_119 : memref<128x128xf32, #tpu.memory_space<vmem_shared>>) target_semaphore(%arg11 : memref<!tpu.dma_semaphore, #tpu.memory_space<semaphore_mem>>)
    %mul3A_120 = arith.constant 640 : i32
    %mul3A_121 = arith.muli %arg1, %mul3A_120 : i32
    %dma_wait3A = arith.constant 0 : i32
    %dma_wait3A_122 = tpu.memref_slice %arg6[%mul3A_121, %dma_wait3A] : memref<10240x128xf32, #tpu.memory_space<vmem_shared>> -> memref<128x128xf32, #tpu.memory_space<vmem_shared>>
    tpu.wait_dma2 semaphore(%arg11 : memref<!tpu.dma_semaphore, #tpu.memory_space<semaphore_mem>>) src(%arg4 : memref<128x128xf32, #tpu.memory_space<hbm>>) dst(%dma_wait3A_122 : memref<128x128xf32, #tpu.memory_space<vmem_shared>>)
    %mul3A_123 = arith.constant 640 : i32
    %mul3A_124 = arith.muli %arg1, %mul3A_123 : i32
    %dma_wait3A_125 = arith.constant 0 : i32
    %dma_wait3A_126 = tpu.memref_slice %arg6[%mul3A_124, %dma_wait3A_125] : memref<10240x128xf32, #tpu.memory_space<vmem_shared>> -> memref<128x128xf32, #tpu.memory_space<vmem_shared>>
    tpu.wait_dma2 semaphore(%arg11 : memref<!tpu.dma_semaphore, #tpu.memory_space<semaphore_mem>>) src(%arg4 : memref<128x128xf32, #tpu.memory_space<hbm>>) dst(%dma_wait3A_126 : memref<128x128xf32, #tpu.memory_space<vmem_shared>>)
    %mul3A_127 = arith.constant 640 : i32
    %mul3A_128 = arith.muli %arg1, %mul3A_127 : i32
    %dma_wait3A_129 = arith.constant 0 : i32
    %dma_wait3A_130 = tpu.memref_slice %arg6[%mul3A_128, %dma_wait3A_129] : memref<10240x128xf32, #tpu.memory_space<vmem_shared>> -> memref<128x128xf32, #tpu.memory_space<vmem_shared>>
    tpu.wait_dma2 semaphore(%arg11 : memref<!tpu.dma_semaphore, #tpu.memory_space<semaphore_mem>>) src(%arg4 : memref<128x128xf32, #tpu.memory_space<hbm>>) dst(%dma_wait3A_130 : memref<128x128xf32, #tpu.memory_space<vmem_shared>>)
    %mul3A_131 = arith.constant 640 : i32
    %mul3A_132 = arith.muli %arg1, %mul3A_131 : i32
    %dma_wait3A_133 = arith.constant 0 : i32
    %dma_wait3A_134 = tpu.memref_slice %arg6[%mul3A_132, %dma_wait3A_133] : memref<10240x128xf32, #tpu.memory_space<vmem_shared>> -> memref<128x128xf32, #tpu.memory_space<vmem_shared>>
    tpu.wait_dma2 semaphore(%arg11 : memref<!tpu.dma_semaphore, #tpu.memory_space<semaphore_mem>>) src(%arg4 : memref<128x128xf32, #tpu.memory_space<hbm>>) dst(%dma_wait3A_134 : memref<128x128xf32, #tpu.memory_space<vmem_shared>>)
    %mul3A_135 = arith.constant 640 : i32
    %mul3A_136 = arith.muli %arg1, %mul3A_135 : i32
    %dma_wait3A_137 = arith.constant 0 : i32
    %dma_wait3A_138 = tpu.memref_slice %arg6[%mul3A_136, %dma_wait3A_137] : memref<10240x128xf32, #tpu.memory_space<vmem_shared>> -> memref<128x128xf32, #tpu.memory_space<vmem_shared>>
    tpu.wait_dma2 semaphore(%arg11 : memref<!tpu.dma_semaphore, #tpu.memory_space<semaphore_mem>>) src(%arg4 : memref<128x128xf32, #tpu.memory_space<hbm>>) dst(%dma_wait3A_138 : memref<128x128xf32, #tpu.memory_space<vmem_shared>>)
    %barrier3A = arith.constant 0 : index
    tpu.barrier barrier_id(%barrier3A)
    %scan3A = arith.constant 0 : i32
    %scan3A_139 = arith.constant 0 : i32
    %scan3A_140 = arith.constant 40 : i32
    %scan3A_141 = arith.addi %scan3A_139, %scan3A_140 : i32
    %scan3A_142 = arith.constant 1 : i32
    scf.for %scan3A_230 = %scan3A_139 to %scan3A_141 step %scan3A_142  : i32 {
      %mul3A_231 = arith.constant 2 : i32
      %mul3A_232 = arith.muli %scan3A_230, %mul3A_231 : i32
      %add3A_233 = arith.constant 0 : i32
      %add3A_234 = arith.addi %mul3A_232, %add3A_233 : i32
      %lt3A = arith.cmpi slt, %add3A_234, %select_n3A : i32
      %convert_element_type3A = arith.extui %lt3A : i1 to i32
      %cond3A = arith.constant 0 : i32
      %cond3A_235 = arith.cmpi ne, %convert_element_type3A, %cond3A : i32
      scf.if %cond3A_235 {
        %dma_wait3A_244 = arith.constant 0 : i32
        %dma_wait3A_245 = arith.constant 0 : i32
        %dma_wait3A_246 = arith.constant 0 : i32
        %dma_wait3A_247 = arith.constant 0 : i32
        %dma_wait3A_248 = tpu.memref_slice %arg7[%dma_wait3A_244, %dma_wait3A_246, %dma_wait3A_247] : memref<2x128x128xf32, #tpu.memory_space<vmem>> -> memref<1x128x128xf32, #tpu.memory_space<vmem>>
        %dma_wait3A_249 = tpu.memref_squeeze %dma_wait3A_248 : memref<1x128x128xf32, #tpu.memory_space<vmem>> -> memref<128x128xf32, #tpu.memory_space<vmem>>
        %dma_wait3A_250 = arith.constant 0 : i32
        %dma_wait3A_251 = arith.constant 0 : i32
        %dma_wait3A_252 = tpu.memref_slice %arg2[%dma_wait3A_250, %dma_wait3A_251] : memref<320000x128xf32, #tpu.memory_space<hbm>> -> memref<128x128xf32, #tpu.memory_space<hbm>>
        %dma_wait3A_253 = tpu.memref_slice %arg9[%dma_wait3A_245] : memref<2x!tpu.dma_semaphore, #tpu.memory_space<semaphore_mem>> -> memref<1x!tpu.dma_semaphore, #tpu.memory_space<semaphore_mem>>
        %dma_wait3A_254 = tpu.memref_squeeze %dma_wait3A_253 : memref<1x!tpu.dma_semaphore, #tpu.memory_space<semaphore_mem>> -> memref<!tpu.dma_semaphore, #tpu.memory_space<semaphore_mem>>
        %dma_wait3A_255 = arith.constant 0 : i32
        %dma_wait3A_256 = arith.constant 0 : i32
        %dma_wait3A_257 = tpu.memref_slice %arg7[%dma_wait3A_244, %dma_wait3A_255, %dma_wait3A_256] : memref<2x128x128xf32, #tpu.memory_space<vmem>> -> memref<1x128x128xf32, #tpu.memory_space<vmem>>
        %dma_wait3A_258 = tpu.memref_squeeze %dma_wait3A_257 : memref<1x128x128xf32, #tpu.memory_space<vmem>> -> memref<128x128xf32, #tpu.memory_space<vmem>>
        %dma_wait3A_259 = arith.constant 0 : i32
        %dma_wait3A_260 = arith.constant 0 : i32
        %dma_wait3A_261 = tpu.memref_slice %arg2[%dma_wait3A_259, %dma_wait3A_260] : memref<320000x128xf32, #tpu.memory_space<hbm>> -> memref<128x128xf32, #tpu.memory_space<hbm>>
        tpu.wait_dma2 semaphore(%dma_wait3A_254 : memref<!tpu.dma_semaphore, #tpu.memory_space<semaphore_mem>>) src(%dma_wait3A_261 : memref<128x128xf32, #tpu.memory_space<hbm>>) dst(%dma_wait3A_258 : memref<128x128xf32, #tpu.memory_space<vmem>>)
        %dma_wait3A_262 = arith.constant 0 : i32
        %dma_wait3A_263 = arith.constant 0 : i32
        %dma_wait3A_264 = arith.constant 0 : i32
        %dma_wait3A_265 = tpu.memref_slice %arg8[%dma_wait3A_262, %dma_wait3A_264] : memref<2x128xi32, #tpu.memory_space<vmem>> -> memref<1x128xi32, #tpu.memory_space<vmem>>
        %dma_wait3A_266 = tpu.memref_squeeze %dma_wait3A_265 : memref<1x128xi32, #tpu.memory_space<vmem>> -> memref<128xi32, #tpu.memory_space<vmem>>
        %dma_wait3A_267 = arith.constant 0 : i32
        %dma_wait3A_268 = tpu.memref_slice %arg3[%dma_wait3A_267] : memref<320000xi32, #tpu.memory_space<hbm>> -> memref<128xi32, #tpu.memory_space<hbm>>
        %dma_wait3A_269 = tpu.memref_slice %arg10[%dma_wait3A_263] : memref<2x!tpu.dma_semaphore, #tpu.memory_space<semaphore_mem>> -> memref<1x!tpu.dma_semaphore, #tpu.memory_space<semaphore_mem>>
        %dma_wait3A_270 = tpu.memref_squeeze %dma_wait3A_269 : memref<1x!tpu.dma_semaphore, #tpu.memory_space<semaphore_mem>> -> memref<!tpu.dma_semaphore, #tpu.memory_space<semaphore_mem>>
        %dma_wait3A_271 = arith.constant 0 : i32
        %dma_wait3A_272 = tpu.memref_slice %arg8[%dma_wait3A_262, %dma_wait3A_271] : memref<2x128xi32, #tpu.memory_space<vmem>> -> memref<1x128xi32, #tpu.memory_space<vmem>>
        %dma_wait3A_273 = tpu.memref_squeeze %dma_wait3A_272 : memref<1x128xi32, #tpu.memory_space<vmem>> -> memref<128xi32, #tpu.memory_space<vmem>>
        %dma_wait3A_274 = arith.constant 0 : i32
        %dma_wait3A_275 = tpu.memref_slice %arg3[%dma_wait3A_274] : memref<320000xi32, #tpu.memory_space<hbm>> -> memref<128xi32, #tpu.memory_space<hbm>>
        tpu.wait_dma2 semaphore(%dma_wait3A_270 : memref<!tpu.dma_semaphore, #tpu.memory_space<semaphore_mem>>) src(%dma_wait3A_275 : memref<128xi32, #tpu.memory_space<hbm>>) dst(%dma_wait3A_273 : memref<128xi32, #tpu.memory_space<vmem>>)
        %run_scoped3A = arith.constant 0 : i32
        %run_scoped3A_276 = arith.constant 0 : i32
        "tpu.region"() ({
          %run_scoped3A_283 = tpu.sem_alloc : memref<!tpu.dma_semaphore, #tpu.memory_space<semaphore_mem>>
          %dma_start3A_284 = arith.constant 0 : i32
          %dma_start3A_285 = arith.constant 0 : i32
          %dma_start3A_286 = tpu.memref_slice %arg7[%run_scoped3A, %dma_start3A_284, %dma_start3A_285] : memref<2x128x128xf32, #tpu.memory_space<vmem>> -> memref<1x128x128xf32, #tpu.memory_space<vmem>>
          %dma_start3A_287 = tpu.memref_squeeze %dma_start3A_286 : memref<1x128x128xf32, #tpu.memory_space<vmem>> -> memref<128x128xf32, #tpu.memory_space<vmem>>
          %dma_start3A_288 = arith.constant 0 : i32
          %dma_start3A_289 = tpu.memref_slice %arg8[%run_scoped3A_276, %dma_start3A_288] : memref<2x128xi32, #tpu.memory_space<vmem>> -> memref<1x128xi32, #tpu.memory_space<vmem>>
          %dma_start3A_290 = tpu.memref_squeeze %dma_start3A_289 : memref<1x128xi32, #tpu.memory_space<vmem>> -> memref<128xi32, #tpu.memory_space<vmem>>
          %dma_start3A_291 = arith.constant 0 : i32
          %dma_start3A_292 = arith.constant 0 : i32
          %dma_start3A_293 = tpu.memref_slice %arg6[%dma_start3A_291, %dma_start3A_292] : memref<10240x128xf32, #tpu.memory_space<vmem_shared>> -> memref<10240x128xf32, #tpu.memory_space<vmem_shared>>
          tpu.enqueue_indirect_dma source(%dma_start3A_287 : memref<128x128xf32, #tpu.memory_space<vmem>>) target(%dma_start3A_293 : memref<10240x128xf32, #tpu.memory_space<vmem_shared>>) offsets(%dma_start3A_290 : memref<128xi32, #tpu.memory_space<vmem>>) semaphore(%run_scoped3A_283 : memref<!tpu.dma_semaphore, #tpu.memory_space<semaphore_mem>>) {add = true}
          %dma_wait3A_294 = arith.constant 0 : i32
          %dma_wait3A_295 = arith.constant 0 : i32
          %dma_wait3A_296 = tpu.memref_slice %arg7[%run_scoped3A, %dma_wait3A_294, %dma_wait3A_295] : memref<2x128x128xf32, #tpu.memory_space<vmem>> -> memref<1x128x128xf32, #tpu.memory_space<vmem>>
          %dma_wait3A_297 = tpu.memref_squeeze %dma_wait3A_296 : memref<1x128x128xf32, #tpu.memory_space<vmem>> -> memref<128x128xf32, #tpu.memory_space<vmem>>
          %dma_wait3A_298 = arith.constant 0 : i32
          %dma_wait3A_299 = tpu.memref_slice %arg8[%run_scoped3A_276, %dma_wait3A_298] : memref<2x128xi32, #tpu.memory_space<vmem>> -> memref<1x128xi32, #tpu.memory_space<vmem>>
          %dma_wait3A_300 = tpu.memref_squeeze %dma_wait3A_299 : memref<1x128xi32, #tpu.memory_space<vmem>> -> memref<128xi32, #tpu.memory_space<vmem>>
          %dma_wait3A_301 = arith.constant 0 : i32
          %dma_wait3A_302 = arith.constant 0 : i32
          %dma_wait3A_303 = tpu.memref_slice %arg6[%dma_wait3A_301, %dma_wait3A_302] : memref<10240x128xf32, #tpu.memory_space<vmem_shared>> -> memref<10240x128xf32, #tpu.memory_space<vmem_shared>>
          tpu.wait_indirect_dma semaphore(%run_scoped3A_283 : memref<!tpu.dma_semaphore, #tpu.memory_space<semaphore_mem>>) src(%dma_wait3A_297 : memref<128x128xf32, #tpu.memory_space<vmem>>) dst(%dma_wait3A_303 : memref<10240x128xf32, #tpu.memory_space<vmem_shared>>)
          tpu.yield
        }) : () -> ()
        %add3A_277 = arith.constant 2 : i32
        %add3A_278 = arith.addi %add3A_234, %add3A_277 : i32
        %lt3A_279 = arith.cmpi slt, %add3A_278, %select_n3A : i32
        %convert_element_type3A_280 = arith.extui %lt3A_279 : i1 to i32
        %cond3A_281 = arith.constant 0 : i32
        %cond3A_282 = arith.cmpi ne, %convert_element_type3A_280, %cond3A_281 : i32
        scf.if %cond3A_282 {
          %add3A_283 = arith.constant 2 : i32
          %add3A_284 = arith.addi %add3A_234, %add3A_283 : i32
          %mul3A_285 = arith.constant 32 : i32
          %mul3A_286 = arith.muli %add3A_284, %mul3A_285 : i32
          %add3A_287 = arith.addi %add3A, %mul3A_286 : i32
          %mul3A_288 = arith.constant 128 : i32
          %mul3A_289 = arith.muli %add3A_287, %mul3A_288 : i32
          %dma_start3A_290 = arith.constant 0 : i32
          %dma_start3A_291 = arith.constant 0 : i32
          %dma_start3A_292 = arith.constant 0 : i32
          %dma_start3A_293 = arith.constant 0 : i32
          %dma_start3A_294 = tpu.memref_slice %arg7[%dma_start3A_290, %dma_start3A_292, %dma_start3A_293] : memref<2x128x128xf32, #tpu.memory_space<vmem>> -> memref<1x128x128xf32, #tpu.memory_space<vmem>>
          %dma_start3A_295 = tpu.memref_squeeze %dma_start3A_294 : memref<1x128x128xf32, #tpu.memory_space<vmem>> -> memref<128x128xf32, #tpu.memory_space<vmem>>
          %dma_start3A_296 = arith.constant 0 : i32
          %dma_start3A_297 = tpu.memref_slice %arg2[%mul3A_289, %dma_start3A_296] : memref<320000x128xf32, #tpu.memory_space<hbm>> -> memref<128x128xf32, #tpu.memory_space<hbm>>
          %dma_start3A_298 = tpu.memref_slice %arg9[%dma_start3A_291] : memref<2x!tpu.dma_semaphore, #tpu.memory_space<semaphore_mem>> -> memref<1x!tpu.dma_semaphore, #tpu.memory_space<semaphore_mem>>
          %dma_start3A_299 = tpu.memref_squeeze %dma_start3A_298 : memref<1x!tpu.dma_semaphore, #tpu.memory_space<semaphore_mem>> -> memref<!tpu.dma_semaphore, #tpu.memory_space<semaphore_mem>>
          %dma_start3A_300 = arith.constant 0 : i32
          %dma_start3A_301 = arith.constant 0 : i32
          %dma_start3A_302 = tpu.memref_slice %arg7[%dma_start3A_290, %dma_start3A_300, %dma_start3A_301] : memref<2x128x128xf32, #tpu.memory_space<vmem>> -> memref<1x128x128xf32, #tpu.memory_space<vmem>>
          %dma_start3A_303 = tpu.memref_squeeze %dma_start3A_302 : memref<1x128x128xf32, #tpu.memory_space<vmem>> -> memref<128x128xf32, #tpu.memory_space<vmem>>
          %dma_start3A_304 = arith.constant 0 : i32
          %dma_start3A_305 = tpu.memref_slice %arg2[%mul3A_289, %dma_start3A_304] : memref<320000x128xf32, #tpu.memory_space<hbm>> -> memref<128x128xf32, #tpu.memory_space<hbm>>
          tpu.enqueue_dma source(%dma_start3A_305 : memref<128x128xf32, #tpu.memory_space<hbm>>) target(%dma_start3A_303 : memref<128x128xf32, #tpu.memory_space<vmem>>) target_semaphore(%dma_start3A_299 : memref<!tpu.dma_semaphore, #tpu.memory_space<semaphore_mem>>)
          %mul3A_306 = arith.constant 128 : i32
          %mul3A_307 = arith.muli %add3A_287, %mul3A_306 : i32
          %dma_start3A_308 = arith.constant 0 : i32
          %dma_start3A_309 = arith.constant 0 : i32
          %dma_start3A_310 = arith.constant 0 : i32
          %dma_start3A_311 = tpu.memref_slice %arg8[%dma_start3A_308, %dma_start3A_310] : memref<2x128xi32, #tpu.memory_space<vmem>> -> memref<1x128xi32, #tpu.memory_space<vmem>>
          %dma_start3A_312 = tpu.memref_squeeze %dma_start3A_311 : memref<1x128xi32, #tpu.memory_space<vmem>> -> memref<128xi32, #tpu.memory_space<vmem>>
          %dma_start3A_313 = tpu.memref_slice %arg3[%mul3A_307] : memref<320000xi32, #tpu.memory_space<hbm>> -> memref<128xi32, #tpu.memory_space<hbm>>
          %dma_start3A_314 = tpu.memref_slice %arg10[%dma_start3A_309] : memref<2x!tpu.dma_semaphore, #tpu.memory_space<semaphore_mem>> -> memref<1x!tpu.dma_semaphore, #tpu.memory_space<semaphore_mem>>
          %dma_start3A_315 = tpu.memref_squeeze %dma_start3A_314 : memref<1x!tpu.dma_semaphore, #tpu.memory_space<semaphore_mem>> -> memref<!tpu.dma_semaphore, #tpu.memory_space<semaphore_mem>>
          %dma_start3A_316 = arith.constant 0 : i32
          %dma_start3A_317 = tpu.memref_slice %arg8[%dma_start3A_308, %dma_start3A_316] : memref<2x128xi32, #tpu.memory_space<vmem>> -> memref<1x128xi32, #tpu.memory_space<vmem>>
          %dma_start3A_318 = tpu.memref_squeeze %dma_start3A_317 : memref<1x128xi32, #tpu.memory_space<vmem>> -> memref<128xi32, #tpu.memory_space<vmem>>
          %dma_start3A_319 = tpu.memref_slice %arg3[%mul3A_307] : memref<320000xi32, #tpu.memory_space<hbm>> -> memref<128xi32, #tpu.memory_space<hbm>>
          tpu.enqueue_dma source(%dma_start3A_319 : memref<128xi32, #tpu.memory_space<hbm>>) target(%dma_start3A_318 : memref<128xi32, #tpu.memory_space<vmem>>) target_semaphore(%dma_start3A_315 : memref<!tpu.dma_semaphore, #tpu.memory_space<semaphore_mem>>)
        } else {
        }
      } else {
      }
      %mul3A_236 = arith.constant 2 : i32
      %mul3A_237 = arith.muli %scan3A_230, %mul3A_236 : i32
      %add3A_238 = arith.constant 1 : i32
      %add3A_239 = arith.addi %mul3A_237, %add3A_238 : i32
      %lt3A_240 = arith.cmpi slt, %add3A_239, %select_n3A : i32
      %convert_element_type3A_241 = arith.extui %lt3A_240 : i1 to i32
      %cond3A_242 = arith.constant 0 : i32
      %cond3A_243 = arith.cmpi ne, %convert_element_type3A_241, %cond3A_242 : i32
      scf.if %cond3A_243 {
        %dma_wait3A_244 = arith.constant 1 : i32
        %dma_wait3A_245 = arith.constant 1 : i32
        %dma_wait3A_246 = arith.constant 0 : i32
        %dma_wait3A_247 = arith.constant 0 : i32
        %dma_wait3A_248 = tpu.memref_slice %arg7[%dma_wait3A_244, %dma_wait3A_246, %dma_wait3A_247] : memref<2x128x128xf32, #tpu.memory_space<vmem>> -> memref<1x128x128xf32, #tpu.memory_space<vmem>>
        %dma_wait3A_249 = tpu.memref_squeeze %dma_wait3A_248 : memref<1x128x128xf32, #tpu.memory_space<vmem>> -> memref<128x128xf32, #tpu.memory_space<vmem>>
        %dma_wait3A_250 = arith.constant 0 : i32
        %dma_wait3A_251 = arith.constant 0 : i32
        %dma_wait3A_252 = tpu.memref_slice %arg2[%dma_wait3A_250, %dma_wait3A_251] : memref<320000x128xf32, #tpu.memory_space<hbm>> -> memref<128x128xf32, #tpu.memory_space<hbm>>
        %dma_wait3A_253 = tpu.memref_slice %arg9[%dma_wait3A_245] : memref<2x!tpu.dma_semaphore, #tpu.memory_space<semaphore_mem>> -> memref<1x!tpu.dma_semaphore, #tpu.memory_space<semaphore_mem>>
        %dma_wait3A_254 = tpu.memref_squeeze %dma_wait3A_253 : memref<1x!tpu.dma_semaphore, #tpu.memory_space<semaphore_mem>> -> memref<!tpu.dma_semaphore, #tpu.memory_space<semaphore_mem>>
        %dma_wait3A_255 = arith.constant 0 : i32
        %dma_wait3A_256 = arith.constant 0 : i32
        %dma_wait3A_257 = tpu.memref_slice %arg7[%dma_wait3A_244, %dma_wait3A_255, %dma_wait3A_256] : memref<2x128x128xf32, #tpu.memory_space<vmem>> -> memref<1x128x128xf32, #tpu.memory_space<vmem>>
        %dma_wait3A_258 = tpu.memref_squeeze %dma_wait3A_257 : memref<1x128x128xf32, #tpu.memory_space<vmem>> -> memref<128x128xf32, #tpu.memory_space<vmem>>
        %dma_wait3A_259 = arith.constant 0 : i32
        %dma_wait3A_260 = arith.constant 0 : i32
        %dma_wait3A_261 = tpu.memref_slice %arg2[%dma_wait3A_259, %dma_wait3A_260] : memref<320000x128xf32, #tpu.memory_space<hbm>> -> memref<128x128xf32, #tpu.memory_space<hbm>>
        tpu.wait_dma2 semaphore(%dma_wait3A_254 : memref<!tpu.dma_semaphore, #tpu.memory_space<semaphore_mem>>) src(%dma_wait3A_261 : memref<128x128xf32, #tpu.memory_space<hbm>>) dst(%dma_wait3A_258 : memref<128x128xf32, #tpu.memory_space<vmem>>)
        %dma_wait3A_262 = arith.constant 1 : i32
        %dma_wait3A_263 = arith.constant 1 : i32
        %dma_wait3A_264 = arith.constant 0 : i32
        %dma_wait3A_265 = tpu.memref_slice %arg8[%dma_wait3A_262, %dma_wait3A_264] : memref<2x128xi32, #tpu.memory_space<vmem>> -> memref<1x128xi32, #tpu.memory_space<vmem>>
        %dma_wait3A_266 = tpu.memref_squeeze %dma_wait3A_265 : memref<1x128xi32, #tpu.memory_space<vmem>> -> memref<128xi32, #tpu.memory_space<vmem>>
        %dma_wait3A_267 = arith.constant 0 : i32
        %dma_wait3A_268 = tpu.memref_slice %arg3[%dma_wait3A_267] : memref<320000xi32, #tpu.memory_space<hbm>> -> memref<128xi32, #tpu.memory_space<hbm>>
        %dma_wait3A_269 = tpu.memref_slice %arg10[%dma_wait3A_263] : memref<2x!tpu.dma_semaphore, #tpu.memory_space<semaphore_mem>> -> memref<1x!tpu.dma_semaphore, #tpu.memory_space<semaphore_mem>>
        %dma_wait3A_270 = tpu.memref_squeeze %dma_wait3A_269 : memref<1x!tpu.dma_semaphore, #tpu.memory_space<semaphore_mem>> -> memref<!tpu.dma_semaphore, #tpu.memory_space<semaphore_mem>>
        %dma_wait3A_271 = arith.constant 0 : i32
        %dma_wait3A_272 = tpu.memref_slice %arg8[%dma_wait3A_262, %dma_wait3A_271] : memref<2x128xi32, #tpu.memory_space<vmem>> -> memref<1x128xi32, #tpu.memory_space<vmem>>
        %dma_wait3A_273 = tpu.memref_squeeze %dma_wait3A_272 : memref<1x128xi32, #tpu.memory_space<vmem>> -> memref<128xi32, #tpu.memory_space<vmem>>
        %dma_wait3A_274 = arith.constant 0 : i32
        %dma_wait3A_275 = tpu.memref_slice %arg3[%dma_wait3A_274] : memref<320000xi32, #tpu.memory_space<hbm>> -> memref<128xi32, #tpu.memory_space<hbm>>
        tpu.wait_dma2 semaphore(%dma_wait3A_270 : memref<!tpu.dma_semaphore, #tpu.memory_space<semaphore_mem>>) src(%dma_wait3A_275 : memref<128xi32, #tpu.memory_space<hbm>>) dst(%dma_wait3A_273 : memref<128xi32, #tpu.memory_space<vmem>>)
        %run_scoped3A = arith.constant 1 : i32
        %run_scoped3A_276 = arith.constant 1 : i32
        "tpu.region"() ({
          %run_scoped3A_283 = tpu.sem_alloc : memref<!tpu.dma_semaphore, #tpu.memory_space<semaphore_mem>>
          %dma_start3A_284 = arith.constant 0 : i32
          %dma_start3A_285 = arith.constant 0 : i32
          %dma_start3A_286 = tpu.memref_slice %arg7[%run_scoped3A, %dma_start3A_284, %dma_start3A_285] : memref<2x128x128xf32, #tpu.memory_space<vmem>> -> memref<1x128x128xf32, #tpu.memory_space<vmem>>
          %dma_start3A_287 = tpu.memref_squeeze %dma_start3A_286 : memref<1x128x128xf32, #tpu.memory_space<vmem>> -> memref<128x128xf32, #tpu.memory_space<vmem>>
          %dma_start3A_288 = arith.constant 0 : i32
          %dma_start3A_289 = tpu.memref_slice %arg8[%run_scoped3A_276, %dma_start3A_288] : memref<2x128xi32, #tpu.memory_space<vmem>> -> memref<1x128xi32, #tpu.memory_space<vmem>>
          %dma_start3A_290 = tpu.memref_squeeze %dma_start3A_289 : memref<1x128xi32, #tpu.memory_space<vmem>> -> memref<128xi32, #tpu.memory_space<vmem>>
          %dma_start3A_291 = arith.constant 0 : i32
          %dma_start3A_292 = arith.constant 0 : i32
          %dma_start3A_293 = tpu.memref_slice %arg6[%dma_start3A_291, %dma_start3A_292] : memref<10240x128xf32, #tpu.memory_space<vmem_shared>> -> memref<10240x128xf32, #tpu.memory_space<vmem_shared>>
          tpu.enqueue_indirect_dma source(%dma_start3A_287 : memref<128x128xf32, #tpu.memory_space<vmem>>) target(%dma_start3A_293 : memref<10240x128xf32, #tpu.memory_space<vmem_shared>>) offsets(%dma_start3A_290 : memref<128xi32, #tpu.memory_space<vmem>>) semaphore(%run_scoped3A_283 : memref<!tpu.dma_semaphore, #tpu.memory_space<semaphore_mem>>) {add = true}
          %dma_wait3A_294 = arith.constant 0 : i32
          %dma_wait3A_295 = arith.constant 0 : i32
          %dma_wait3A_296 = tpu.memref_slice %arg7[%run_scoped3A, %dma_wait3A_294, %dma_wait3A_295] : memref<2x128x128xf32, #tpu.memory_space<vmem>> -> memref<1x128x128xf32, #tpu.memory_space<vmem>>
          %dma_wait3A_297 = tpu.memref_squeeze %dma_wait3A_296 : memref<1x128x128xf32, #tpu.memory_space<vmem>> -> memref<128x128xf32, #tpu.memory_space<vmem>>
          %dma_wait3A_298 = arith.constant 0 : i32
          %dma_wait3A_299 = tpu.memref_slice %arg8[%run_scoped3A_276, %dma_wait3A_298] : memref<2x128xi32, #tpu.memory_space<vmem>> -> memref<1x128xi32, #tpu.memory_space<vmem>>
          %dma_wait3A_300 = tpu.memref_squeeze %dma_wait3A_299 : memref<1x128xi32, #tpu.memory_space<vmem>> -> memref<128xi32, #tpu.memory_space<vmem>>
          %dma_wait3A_301 = arith.constant 0 : i32
          %dma_wait3A_302 = arith.constant 0 : i32
          %dma_wait3A_303 = tpu.memref_slice %arg6[%dma_wait3A_301, %dma_wait3A_302] : memref<10240x128xf32, #tpu.memory_space<vmem_shared>> -> memref<10240x128xf32, #tpu.memory_space<vmem_shared>>
          tpu.wait_indirect_dma semaphore(%run_scoped3A_283 : memref<!tpu.dma_semaphore, #tpu.memory_space<semaphore_mem>>) src(%dma_wait3A_297 : memref<128x128xf32, #tpu.memory_space<vmem>>) dst(%dma_wait3A_303 : memref<10240x128xf32, #tpu.memory_space<vmem_shared>>)
          tpu.yield
        }) : () -> ()
        %add3A_277 = arith.constant 2 : i32
        %add3A_278 = arith.addi %add3A_239, %add3A_277 : i32
        %lt3A_279 = arith.cmpi slt, %add3A_278, %select_n3A : i32
        %convert_element_type3A_280 = arith.extui %lt3A_279 : i1 to i32
        %cond3A_281 = arith.constant 0 : i32
        %cond3A_282 = arith.cmpi ne, %convert_element_type3A_280, %cond3A_281 : i32
        scf.if %cond3A_282 {
          %add3A_283 = arith.constant 2 : i32
          %add3A_284 = arith.addi %add3A_239, %add3A_283 : i32
          %mul3A_285 = arith.constant 32 : i32
          %mul3A_286 = arith.muli %add3A_284, %mul3A_285 : i32
          %add3A_287 = arith.addi %add3A, %mul3A_286 : i32
          %mul3A_288 = arith.constant 128 : i32
          %mul3A_289 = arith.muli %add3A_287, %mul3A_288 : i32
          %dma_start3A_290 = arith.constant 1 : i32
          %dma_start3A_291 = arith.constant 1 : i32
          %dma_start3A_292 = arith.constant 0 : i32
          %dma_start3A_293 = arith.constant 0 : i32
          %dma_start3A_294 = tpu.memref_slice %arg7[%dma_start3A_290, %dma_start3A_292, %dma_start3A_293] : memref<2x128x128xf32, #tpu.memory_space<vmem>> -> memref<1x128x128xf32, #tpu.memory_space<vmem>>
          %dma_start3A_295 = tpu.memref_squeeze %dma_start3A_294 : memref<1x128x128xf32, #tpu.memory_space<vmem>> -> memref<128x128xf32, #tpu.memory_space<vmem>>
          %dma_start3A_296 = arith.constant 0 : i32
          %dma_start3A_297 = tpu.memref_slice %arg2[%mul3A_289, %dma_start3A_296] : memref<320000x128xf32, #tpu.memory_space<hbm>> -> memref<128x128xf32, #tpu.memory_space<hbm>>
          %dma_start3A_298 = tpu.memref_slice %arg9[%dma_start3A_291] : memref<2x!tpu.dma_semaphore, #tpu.memory_space<semaphore_mem>> -> memref<1x!tpu.dma_semaphore, #tpu.memory_space<semaphore_mem>>
          %dma_start3A_299 = tpu.memref_squeeze %dma_start3A_298 : memref<1x!tpu.dma_semaphore, #tpu.memory_space<semaphore_mem>> -> memref<!tpu.dma_semaphore, #tpu.memory_space<semaphore_mem>>
          %dma_start3A_300 = arith.constant 0 : i32
          %dma_start3A_301 = arith.constant 0 : i32
          %dma_start3A_302 = tpu.memref_slice %arg7[%dma_start3A_290, %dma_start3A_300, %dma_start3A_301] : memref<2x128x128xf32, #tpu.memory_space<vmem>> -> memref<1x128x128xf32, #tpu.memory_space<vmem>>
          %dma_start3A_303 = tpu.memref_squeeze %dma_start3A_302 : memref<1x128x128xf32, #tpu.memory_space<vmem>> -> memref<128x128xf32, #tpu.memory_space<vmem>>
          %dma_start3A_304 = arith.constant 0 : i32
          %dma_start3A_305 = tpu.memref_slice %arg2[%mul3A_289, %dma_start3A_304] : memref<320000x128xf32, #tpu.memory_space<hbm>> -> memref<128x128xf32, #tpu.memory_space<hbm>>
          tpu.enqueue_dma source(%dma_start3A_305 : memref<128x128xf32, #tpu.memory_space<hbm>>) target(%dma_start3A_303 : memref<128x128xf32, #tpu.memory_space<vmem>>) target_semaphore(%dma_start3A_299 : memref<!tpu.dma_semaphore, #tpu.memory_space<semaphore_mem>>)
          %mul3A_306 = arith.constant 128 : i32
          %mul3A_307 = arith.muli %add3A_287, %mul3A_306 : i32
          %dma_start3A_308 = arith.constant 1 : i32
          %dma_start3A_309 = arith.constant 1 : i32
          %dma_start3A_310 = arith.constant 0 : i32
          %dma_start3A_311 = tpu.memref_slice %arg8[%dma_start3A_308, %dma_start3A_310] : memref<2x128xi32, #tpu.memory_space<vmem>> -> memref<1x128xi32, #tpu.memory_space<vmem>>
          %dma_start3A_312 = tpu.memref_squeeze %dma_start3A_311 : memref<1x128xi32, #tpu.memory_space<vmem>> -> memref<128xi32, #tpu.memory_space<vmem>>
          %dma_start3A_313 = tpu.memref_slice %arg3[%mul3A_307] : memref<320000xi32, #tpu.memory_space<hbm>> -> memref<128xi32, #tpu.memory_space<hbm>>
          %dma_start3A_314 = tpu.memref_slice %arg10[%dma_start3A_309] : memref<2x!tpu.dma_semaphore, #tpu.memory_space<semaphore_mem>> -> memref<1x!tpu.dma_semaphore, #tpu.memory_space<semaphore_mem>>
          %dma_start3A_315 = tpu.memref_squeeze %dma_start3A_314 : memref<1x!tpu.dma_semaphore, #tpu.memory_space<semaphore_mem>> -> memref<!tpu.dma_semaphore, #tpu.memory_space<semaphore_mem>>
          %dma_start3A_316 = arith.constant 0 : i32
          %dma_start3A_317 = tpu.memref_slice %arg8[%dma_start3A_308, %dma_start3A_316] : memref<2x128xi32, #tpu.memory_space<vmem>> -> memref<1x128xi32, #tpu.memory_space<vmem>>
          %dma_start3A_318 = tpu.memref_squeeze %dma_start3A_317 : memref<1x128xi32, #tpu.memory_space<vmem>> -> memref<128xi32, #tpu.memory_space<vmem>>
          %dma_start3A_319 = tpu.memref_slice %arg3[%mul3A_307] : memref<320000xi32, #tpu.memory_space<hbm>> -> memref<128xi32, #tpu.memory_space<hbm>>
          tpu.enqueue_dma source(%dma_start3A_319 : memref<128xi32, #tpu.memory_space<hbm>>) target(%dma_start3A_318 : memref<128xi32, #tpu.memory_space<vmem>>) target_semaphore(%dma_start3A_315 : memref<!tpu.dma_semaphore, #tpu.memory_space<semaphore_mem>>)
        } else {
        }
      } else {
      }
    }
    %scan3A_143 = arith.constant 40 : i32
    %barrier3A_144 = arith.constant 0 : index
    tpu.barrier barrier_id(%barrier3A_144)
    %mul3A_145 = arith.constant 640 : i32
    %mul3A_146 = arith.muli %arg1, %mul3A_145 : i32
    %add3A_147 = arith.constant 0 : i32
    %add3A_148 = arith.addi %mul3A_146, %add3A_147 : i32
    %dma_start3A_149 = arith.constant 0 : i32
    %dma_start3A_150 = tpu.memref_slice %arg5[%arg0, %add3A_148, %dma_start3A_149] : memref<2x10240x128xf32, #tpu.memory_space<hbm>> -> memref<1x128x128xf32, #tpu.memory_space<hbm>>
    %dma_start3A_151 = tpu.memref_squeeze %dma_start3A_150 : memref<1x128x128xf32, #tpu.memory_space<hbm>> -> memref<128x128xf32, #tpu.memory_space<hbm>>
    %dma_start3A_152 = arith.constant 0 : i32
    %dma_start3A_153 = tpu.memref_slice %arg6[%add3A_148, %dma_start3A_152] : memref<10240x128xf32, #tpu.memory_space<vmem_shared>> -> memref<128x128xf32, #tpu.memory_space<vmem_shared>>
    tpu.enqueue_dma source(%dma_start3A_153 : memref<128x128xf32, #tpu.memory_space<vmem_shared>>) target(%dma_start3A_151 : memref<128x128xf32, #tpu.memory_space<hbm>>) target_semaphore(%arg11 : memref<!tpu.dma_semaphore, #tpu.memory_space<semaphore_mem>>)
    %mul3A_154 = arith.constant 640 : i32
    %mul3A_155 = arith.muli %arg1, %mul3A_154 : i32
    %add3A_156 = arith.constant 128 : i32
    %add3A_157 = arith.addi %mul3A_155, %add3A_156 : i32
    %dma_start3A_158 = arith.constant 0 : i32
    %dma_start3A_159 = tpu.memref_slice %arg5[%arg0, %add3A_157, %dma_start3A_158] : memref<2x10240x128xf32, #tpu.memory_space<hbm>> -> memref<1x128x128xf32, #tpu.memory_space<hbm>>
    %dma_start3A_160 = tpu.memref_squeeze %dma_start3A_159 : memref<1x128x128xf32, #tpu.memory_space<hbm>> -> memref<128x128xf32, #tpu.memory_space<hbm>>
    %dma_start3A_161 = arith.constant 0 : i32
    %dma_start3A_162 = tpu.memref_slice %arg6[%add3A_157, %dma_start3A_161] : memref<10240x128xf32, #tpu.memory_space<vmem_shared>> -> memref<128x128xf32, #tpu.memory_space<vmem_shared>>
    tpu.enqueue_dma source(%dma_start3A_162 : memref<128x128xf32, #tpu.memory_space<vmem_shared>>) target(%dma_start3A_160 : memref<128x128xf32, #tpu.memory_space<hbm>>) target_semaphore(%arg11 : memref<!tpu.dma_semaphore, #tpu.memory_space<semaphore_mem>>)
    %mul3A_163 = arith.constant 640 : i32
    %mul3A_164 = arith.muli %arg1, %mul3A_163 : i32
    %add3A_165 = arith.constant 256 : i32
    %add3A_166 = arith.addi %mul3A_164, %add3A_165 : i32
    %dma_start3A_167 = arith.constant 0 : i32
    %dma_start3A_168 = tpu.memref_slice %arg5[%arg0, %add3A_166, %dma_start3A_167] : memref<2x10240x128xf32, #tpu.memory_space<hbm>> -> memref<1x128x128xf32, #tpu.memory_space<hbm>>
    %dma_start3A_169 = tpu.memref_squeeze %dma_start3A_168 : memref<1x128x128xf32, #tpu.memory_space<hbm>> -> memref<128x128xf32, #tpu.memory_space<hbm>>
    %dma_start3A_170 = arith.constant 0 : i32
    %dma_start3A_171 = tpu.memref_slice %arg6[%add3A_166, %dma_start3A_170] : memref<10240x128xf32, #tpu.memory_space<vmem_shared>> -> memref<128x128xf32, #tpu.memory_space<vmem_shared>>
    tpu.enqueue_dma source(%dma_start3A_171 : memref<128x128xf32, #tpu.memory_space<vmem_shared>>) target(%dma_start3A_169 : memref<128x128xf32, #tpu.memory_space<hbm>>) target_semaphore(%arg11 : memref<!tpu.dma_semaphore, #tpu.memory_space<semaphore_mem>>)
    %mul3A_172 = arith.constant 640 : i32
    %mul3A_173 = arith.muli %arg1, %mul3A_172 : i32
    %add3A_174 = arith.constant 384 : i32
    %add3A_175 = arith.addi %mul3A_173, %add3A_174 : i32
    %dma_start3A_176 = arith.constant 0 : i32
    %dma_start3A_177 = tpu.memref_slice %arg5[%arg0, %add3A_175, %dma_start3A_176] : memref<2x10240x128xf32, #tpu.memory_space<hbm>> -> memref<1x128x128xf32, #tpu.memory_space<hbm>>
    %dma_start3A_178 = tpu.memref_squeeze %dma_start3A_177 : memref<1x128x128xf32, #tpu.memory_space<hbm>> -> memref<128x128xf32, #tpu.memory_space<hbm>>
    %dma_start3A_179 = arith.constant 0 : i32
    %dma_start3A_180 = tpu.memref_slice %arg6[%add3A_175, %dma_start3A_179] : memref<10240x128xf32, #tpu.memory_space<vmem_shared>> -> memref<128x128xf32, #tpu.memory_space<vmem_shared>>
    tpu.enqueue_dma source(%dma_start3A_180 : memref<128x128xf32, #tpu.memory_space<vmem_shared>>) target(%dma_start3A_178 : memref<128x128xf32, #tpu.memory_space<hbm>>) target_semaphore(%arg11 : memref<!tpu.dma_semaphore, #tpu.memory_space<semaphore_mem>>)
    %mul3A_181 = arith.constant 640 : i32
    %mul3A_182 = arith.muli %arg1, %mul3A_181 : i32
    %add3A_183 = arith.constant 512 : i32
    %add3A_184 = arith.addi %mul3A_182, %add3A_183 : i32
    %dma_start3A_185 = arith.constant 0 : i32
    %dma_start3A_186 = tpu.memref_slice %arg5[%arg0, %add3A_184, %dma_start3A_185] : memref<2x10240x128xf32, #tpu.memory_space<hbm>> -> memref<1x128x128xf32, #tpu.memory_space<hbm>>
    %dma_start3A_187 = tpu.memref_squeeze %dma_start3A_186 : memref<1x128x128xf32, #tpu.memory_space<hbm>> -> memref<128x128xf32, #tpu.memory_space<hbm>>
    %dma_start3A_188 = arith.constant 0 : i32
    %dma_start3A_189 = tpu.memref_slice %arg6[%add3A_184, %dma_start3A_188] : memref<10240x128xf32, #tpu.memory_space<vmem_shared>> -> memref<128x128xf32, #tpu.memory_space<vmem_shared>>
    tpu.enqueue_dma source(%dma_start3A_189 : memref<128x128xf32, #tpu.memory_space<vmem_shared>>) target(%dma_start3A_187 : memref<128x128xf32, #tpu.memory_space<hbm>>) target_semaphore(%arg11 : memref<!tpu.dma_semaphore, #tpu.memory_space<semaphore_mem>>)
    %mul3A_190 = arith.constant 640 : i32
    %mul3A_191 = arith.muli %arg1, %mul3A_190 : i32
    %dma_wait3A_192 = arith.constant 0 : i32
    %dma_wait3A_193 = arith.constant 0 : i32
    %dma_wait3A_194 = tpu.memref_slice %arg5[%arg0, %dma_wait3A_192, %dma_wait3A_193] : memref<2x10240x128xf32, #tpu.memory_space<hbm>> -> memref<1x128x128xf32, #tpu.memory_space<hbm>>
    %dma_wait3A_195 = tpu.memref_squeeze %dma_wait3A_194 : memref<1x128x128xf32, #tpu.memory_space<hbm>> -> memref<128x128xf32, #tpu.memory_space<hbm>>
    %dma_wait3A_196 = arith.constant 0 : i32
    %dma_wait3A_197 = tpu.memref_slice %arg6[%mul3A_191, %dma_wait3A_196] : memref<10240x128xf32, #tpu.memory_space<vmem_shared>> -> memref<128x128xf32, #tpu.memory_space<vmem_shared>>
    tpu.wait_dma2 semaphore(%arg11 : memref<!tpu.dma_semaphore, #tpu.memory_space<semaphore_mem>>) src(%dma_wait3A_197 : memref<128x128xf32, #tpu.memory_space<vmem_shared>>) dst(%dma_wait3A_195 : memref<128x128xf32, #tpu.memory_space<hbm>>)
    %mul3A_198 = arith.constant 640 : i32
    %mul3A_199 = arith.muli %arg1, %mul3A_198 : i32
    %dma_wait3A_200 = arith.constant 0 : i32
    %dma_wait3A_201 = arith.constant 0 : i32
    %dma_wait3A_202 = tpu.memref_slice %arg5[%arg0, %dma_wait3A_200, %dma_wait3A_201] : memref<2x10240x128xf32, #tpu.memory_space<hbm>> -> memref<1x128x128xf32, #tpu.memory_space<hbm>>
    %dma_wait3A_203 = tpu.memref_squeeze %dma_wait3A_202 : memref<1x128x128xf32, #tpu.memory_space<hbm>> -> memref<128x128xf32, #tpu.memory_space<hbm>>
    %dma_wait3A_204 = arith.constant 0 : i32
    %dma_wait3A_205 = tpu.memref_slice %arg6[%mul3A_199, %dma_wait3A_204] : memref<10240x128xf32, #tpu.memory_space<vmem_shared>> -> memref<128x128xf32, #tpu.memory_space<vmem_shared>>
    tpu.wait_dma2 semaphore(%arg11 : memref<!tpu.dma_semaphore, #tpu.memory_space<semaphore_mem>>) src(%dma_wait3A_205 : memref<128x128xf32, #tpu.memory_space<vmem_shared>>) dst(%dma_wait3A_203 : memref<128x128xf32, #tpu.memory_space<hbm>>)
    %mul3A_206 = arith.constant 640 : i32
    %mul3A_207 = arith.muli %arg1, %mul3A_206 : i32
    %dma_wait3A_208 = arith.constant 0 : i32
    %dma_wait3A_209 = arith.constant 0 : i32
    %dma_wait3A_210 = tpu.memref_slice %arg5[%arg0, %dma_wait3A_208, %dma_wait3A_209] : memref<2x10240x128xf32, #tpu.memory_space<hbm>> -> memref<1x128x128xf32, #tpu.memory_space<hbm>>
    %dma_wait3A_211 = tpu.memref_squeeze %dma_wait3A_210 : memref<1x128x128xf32, #tpu.memory_space<hbm>> -> memref<128x128xf32, #tpu.memory_space<hbm>>
    %dma_wait3A_212 = arith.constant 0 : i32
    %dma_wait3A_213 = tpu.memref_slice %arg6[%mul3A_207, %dma_wait3A_212] : memref<10240x128xf32, #tpu.memory_space<vmem_shared>> -> memref<128x128xf32, #tpu.memory_space<vmem_shared>>
    tpu.wait_dma2 semaphore(%arg11 : memref<!tpu.dma_semaphore, #tpu.memory_space<semaphore_mem>>) src(%dma_wait3A_213 : memref<128x128xf32, #tpu.memory_space<vmem_shared>>) dst(%dma_wait3A_211 : memref<128x128xf32, #tpu.memory_space<hbm>>)
    %mul3A_214 = arith.constant 640 : i32
    %mul3A_215 = arith.muli %arg1, %mul3A_214 : i32
    %dma_wait3A_216 = arith.constant 0 : i32
    %dma_wait3A_217 = arith.constant 0 : i32
    %dma_wait3A_218 = tpu.memref_slice %arg5[%arg0, %dma_wait3A_216, %dma_wait3A_217] : memref<2x10240x128xf32, #tpu.memory_space<hbm>> -> memref<1x128x128xf32, #tpu.memory_space<hbm>>
    %dma_wait3A_219 = tpu.memref_squeeze %dma_wait3A_218 : memref<1x128x128xf32, #tpu.memory_space<hbm>> -> memref<128x128xf32, #tpu.memory_space<hbm>>
    %dma_wait3A_220 = arith.constant 0 : i32
    %dma_wait3A_221 = tpu.memref_slice %arg6[%mul3A_215, %dma_wait3A_220] : memref<10240x128xf32, #tpu.memory_space<vmem_shared>> -> memref<128x128xf32, #tpu.memory_space<vmem_shared>>
    tpu.wait_dma2 semaphore(%arg11 : memref<!tpu.dma_semaphore, #tpu.memory_space<semaphore_mem>>) src(%dma_wait3A_221 : memref<128x128xf32, #tpu.memory_space<vmem_shared>>) dst(%dma_wait3A_219 : memref<128x128xf32, #tpu.memory_space<hbm>>)
    %mul3A_222 = arith.constant 640 : i32
    %mul3A_223 = arith.muli %arg1, %mul3A_222 : i32
    %dma_wait3A_224 = arith.constant 0 : i32
    %dma_wait3A_225 = arith.constant 0 : i32
    %dma_wait3A_226 = tpu.memref_slice %arg5[%arg0, %dma_wait3A_224, %dma_wait3A_225] : memref<2x10240x128xf32, #tpu.memory_space<hbm>> -> memref<1x128x128xf32, #tpu.memory_space<hbm>>
    %dma_wait3A_227 = tpu.memref_squeeze %dma_wait3A_226 : memref<1x128x128xf32, #tpu.memory_space<hbm>> -> memref<128x128xf32, #tpu.memory_space<hbm>>
    %dma_wait3A_228 = arith.constant 0 : i32
    %dma_wait3A_229 = tpu.memref_slice %arg6[%mul3A_223, %dma_wait3A_228] : memref<10240x128xf32, #tpu.memory_space<vmem_shared>> -> memref<128x128xf32, #tpu.memory_space<vmem_shared>>
    tpu.wait_dma2 semaphore(%arg11 : memref<!tpu.dma_semaphore, #tpu.memory_space<semaphore_mem>>) src(%dma_wait3A_229 : memref<128x128xf32, #tpu.memory_space<vmem_shared>>) dst(%dma_wait3A_227 : memref<128x128xf32, #tpu.memory_space<hbm>>)
    return
  }
}

module attributes {stable_mosaic.version = 14 : i64} {
  func.func @_gate_kernel(%arg0: i32, %arg1: memref<2x2000x128xf32, #tpu.memory_space<vmem>>, %arg2: memref<2000x128xf32, #tpu.memory_space<vmem>>, %arg3: memref<128x128xf32, #tpu.memory_space<vmem>>, %arg4: memref<128x128xf32, #tpu.memory_space<vmem>>, %arg5: memref<1x128xf32, #tpu.memory_space<vmem>>, %arg6: memref<2000x128xf32, #tpu.memory_space<vmem>>) attributes {dimension_semantics = [#tpu.dimension_semantics<arbitrary>], iteration_bounds = array<i64: 5>, scalar_prefetch = 0 : i64, scratch_operands = 0 : i64, tpu.core_type = #tpu.core_type<tc>, window_params = [{transform_indices = @transform_0, window_bounds = array<i64: 2, 2000, 128>}, {transform_indices = @transform_1, window_bounds = array<i64: 2000, 128>}, {pipeline_mode = #tpu.pipeline_mode<synchronous>, transform_indices = @transform_2, window_bounds = array<i64: 128, 128>}, {pipeline_mode = #tpu.pipeline_mode<synchronous>, transform_indices = @transform_3, window_bounds = array<i64: 128, 128>}, {pipeline_mode = #tpu.pipeline_mode<synchronous>, transform_indices = @transform_4, window_bounds = array<i64: 1, 128>}, {transform_indices = @transform_5, window_bounds = array<i64: 2000, 128>}]} {
    %get3A = arith.constant 0 : index
    %get3A_0 = arith.constant 0 : index
    %get3A_1 = arith.constant 0 : index
    %get3A_2 = vector.load %arg1[%get3A, %get3A_0, %get3A_1] : memref<2x2000x128xf32, #tpu.memory_space<vmem>>, vector<1x2000x128xf32>
    %get3A_3 = vector.shape_cast %get3A_2 : vector<1x2000x128xf32> to vector<2000x128xf32>
    %get3A_4 = arith.constant 1 : index
    %get3A_5 = arith.constant 0 : index
    %get3A_6 = arith.constant 0 : index
    %get3A_7 = vector.load %arg1[%get3A_4, %get3A_5, %get3A_6] : memref<2x2000x128xf32, #tpu.memory_space<vmem>>, vector<1x2000x128xf32>
    %get3A_8 = vector.shape_cast %get3A_7 : vector<1x2000x128xf32> to vector<2000x128xf32>
    %add3A = arith.addf %get3A_3, %get3A_8 : vector<2000x128xf32>
    %get3A_9 = arith.constant 0 : index
    %get3A_10 = arith.constant 0 : index
    %get3A_11 = vector.load %arg2[%get3A_9, %get3A_10] : memref<2000x128xf32, #tpu.memory_space<vmem>>, vector<2000x128xf32>
    %get3A_12 = arith.constant 0 : index
    %get3A_13 = arith.constant 0 : index
    %get3A_14 = vector.load %arg3[%get3A_12, %get3A_13] : memref<128x128xf32, #tpu.memory_space<vmem>>, vector<128x128xf32>
    %dot_general3A = arith.constant dense<0.000000e+00> : vector<2000x128xf32>
    %dot_general3A_15 = tpu.matmul %get3A_11, %get3A_14, %dot_general3A {dimension_numbers = #tpu.dot_dimension_numbers<[1], [0], [0], [1], [0, 0, 1, 1], [], []>, transpose_lhs_hint = false} : vector<2000x128xf32>, vector<128x128xf32>, vector<2000x128xf32> -> vector<2000x128xf32>
    %get3A_16 = arith.constant 0 : index
    %get3A_17 = arith.constant 0 : index
    %get3A_18 = vector.load %arg4[%get3A_16, %get3A_17] : memref<128x128xf32, #tpu.memory_space<vmem>>, vector<128x128xf32>
    %dot_general3A_19 = arith.constant dense<0.000000e+00> : vector<2000x128xf32>
    %dot_general3A_20 = tpu.matmul %add3A, %get3A_18, %dot_general3A_19 {dimension_numbers = #tpu.dot_dimension_numbers<[1], [0], [0], [1], [0, 0, 1, 1], [], []>, transpose_lhs_hint = false} : vector<2000x128xf32>, vector<128x128xf32>, vector<2000x128xf32> -> vector<2000x128xf32>
    %add3A_21 = arith.addf %dot_general3A_15, %dot_general3A_20 : vector<2000x128xf32>
    %get3A_22 = arith.constant 0 : index
    %get3A_23 = arith.constant 0 : index
    %get3A_24 = vector.load %arg5[%get3A_22, %get3A_23] : memref<1x128xf32, #tpu.memory_space<vmem>>, vector<1x128xf32>
    %add3A_25 = vector.broadcast %get3A_24 : vector<1x128xf32> to vector<2000x128xf32>
    %add3A_26 = arith.addf %add3A_21, %add3A_25 : vector<2000x128xf32>
    %logistic3A = arith.negf %add3A_26 : vector<2000x128xf32>
    %logistic3A_27 = math.exp %logistic3A : vector<2000x128xf32>
    %logistic3A_28 = arith.constant 1.000000e+00 : f32
    %logistic3A_29 = vector.broadcast %logistic3A_28 : f32 to vector<2000x128xf32>
    %logistic3A_30 = arith.addf %logistic3A_29, %logistic3A_27 : vector<2000x128xf32>
    %logistic3A_31 = arith.divf %logistic3A_29, %logistic3A_30 : vector<2000x128xf32>
    %mul3A = arith.mulf %logistic3A_31, %get3A_11 : vector<2000x128xf32>
    %sub3A = arith.constant 1.000000e+00 : f32
    %sub3A_32 = vector.broadcast %sub3A : f32 to vector<2000x128xf32>
    %sub3A_33 = arith.subf %sub3A_32, %logistic3A_31 : vector<2000x128xf32>
    %mul3A_34 = arith.mulf %sub3A_33, %add3A : vector<2000x128xf32>
    %add3A_35 = arith.addf %mul3A, %mul3A_34 : vector<2000x128xf32>
    %swap3A = arith.constant 0 : index
    %swap3A_36 = arith.constant 0 : index
    %swap3A_37 = vector.load %arg6[%swap3A, %swap3A_36] : memref<2000x128xf32, #tpu.memory_space<vmem>>, vector<2000x128xf32>
    tpu.vector_store %arg6[%swap3A, %swap3A_36], %add3A_35 {strides = array<i32>} : memref<2000x128xf32, #tpu.memory_space<vmem>>, vector<2000x128xf32>,
    return
  }
  func.func @transform_0(%arg0: i32) -> (i32, i32, i32) {
    %c0_i32 = arith.constant 0 : i32
    %c0_i32_0 = arith.constant 0 : i32
    %c0_i32_1 = arith.constant 0 : i32
    return %c0_i32, %arg0, %c0_i32_0 : i32, i32, i32
  }
  func.func @transform_1(%arg0: i32) -> (i32, i32) {
    %c0_i32 = arith.constant 0 : i32
    %c0_i32_0 = arith.constant 0 : i32
    return %arg0, %c0_i32 : i32, i32
  }
  func.func @transform_2(%arg0: i32) -> (i32, i32) {
    %c0_i32 = arith.constant 0 : i32
    %c0_i32_0 = arith.constant 0 : i32
    %c0_i32_1 = arith.constant 0 : i32
    return %c0_i32, %c0_i32_0 : i32, i32
  }
  func.func @transform_3(%arg0: i32) -> (i32, i32) {
    %c0_i32 = arith.constant 0 : i32
    %c0_i32_0 = arith.constant 0 : i32
    %c0_i32_1 = arith.constant 0 : i32
    return %c0_i32, %c0_i32_0 : i32, i32
  }
  func.func @transform_4(%arg0: i32) -> (i32, i32) {
    %c0_i32 = arith.constant 0 : i32
    %c0_i32_0 = arith.constant 0 : i32
    %c0_i32_1 = arith.constant 0 : i32
    return %c0_i32, %c0_i32_0 : i32, i32
  }
  func.func @transform_5(%arg0: i32) -> (i32, i32) {
    %c0_i32 = arith.constant 0 : i32
    %c0_i32_0 = arith.constant 0 : i32
    return %arg0, %c0_i32 : i32, i32
  }
}

</mosaic_0001>

<sc_bundles>
// kernel: kernel.4.cloned.1.call-start
scs
__scs_entry_jumppad:
0x0: {  	(pc) =	sbr.rel $0x88, $3  }
0x1: {  	(tag) =	ssettag $0x0;
	lr =	simm.s32 $0x1  }
0x2: {  	[smem:$0x3F9C] =	sst lr;
	_ =	strace $0xD0000000  }
0x3: {  	_ = 	snop  }
0x4: {  	_ = 	snop  }
0x5: {  	_ = 	snop  }
0x6: {  	_ = 	snop  }
0x7: {  	_ = 	snop  }
__scs_overlays_trampoline_lowered:
0x8: {  	[smem:$0x3FAB] =	sst s0  }
0x9: {  	[smem:$0x3FAC] =	sst s1  }
0xa: {  	[smem:$0x3FAD] =	sst s2  }
0xb: {  	[smem:$0x3FAE] =	sst s3  }
0xc: {  	[smem:$0x3FAF] =	sst s4  }
0xd: {  	[smem:$0x3FB0] =	sst s5  }
0xe: {  	[smem:$0x3FB1] =	sst s6  }
0xf: {  	[smem:$0x3FB2] =	sst s7  }
0x10: {  	[smem:$0x3FB3] =	sst s8  }
0x11: {  	[smem:$0x3FB4] =	sst s9;
	s0 =	simm.s32 @!p0 $0x0  }
0x12: {  	s1 =	sld [smem:$0x3F9A];
	s0 =	simm.s32 @p0 $0x1  }
0x13: {  	[smem:$0x3FB5] =	sst s0;
	s0 =	simm.s32 @!p1 $0x0  }
0x14: {  	s2 =	sld [smem:$0x3F99];
	s0 =	simm.s32 @p1 $0x1  }
0x15: {  	[smem:$0x3FB6] =	sst s0;
	s0 =	simm.s32 @!p2 $0x0  }
0x16: {  	s3 =	sld [smem:$0x3FDB];
	s0 =	simm.s32 @p2 $0x1  }
0x17: {  	s4 =	simm.s32 $0x1BF5;
	[smem:$0x3FB8] =	sst s0  }
0x18: {  	s0 =	sld [smem:$0x3F9B];
	_ =	swait.ge [sflag:s4], $0x0  }
0x19: {  	s7 =	sld [smem:$0x3F9C]  }
0x1a: {  	s8 =	sadd.s32 $0xFFFFE003, lr  }
0x1b: {  	s9 =	sadd.s32 $0xFFFFFEF7, lr;
	s5 =	simm.s32 $0xFFFFFFFF;
	p2 =	slt.u32 s8, $0xFFFFF086  }
0x1c: {  	p1 =	slt.u32 s9, $0xF7A;
	s5 =	simm.s32 @!p2 $0x0  }
0x1d: {  	s5 =	simm.s32 @p1 $0x1;
	p0 =	seq.s32 s7, s2  }
0x1e: {  	s7 =	smul.u32 @!p0 $0xF7A, s2;
	p2 =	seq.s32 @!p0 s5, $0x0  }
0x1f: {  	s9 =	smul.u32 $0xF7A, s1;
	s8 =	simm.s32 @!p0 $0x1BF5;
	p2 =	por !p2, p0  }
0x20: {  	[sflag:s8] =	ssyncset.s32 @!p0 $0xFFFFF086;
	s6 =	sadd.s32 @!p0 s3, s7;
	s7 =	simm.s32 @!p0 $0x108  }
0x21: {  	s3 =	sadd.s32 s3, s9;
	s6 =	sadd.s32 @!p0 $0x88, s6;
	s7 =	simm.s32 @p2 $0x1082  }
0x22: {  	[simem:s7], [sflag:s8] =	dma.local @!p0 [hbm:s6], $0xF7A  }
0x23: {  	s9 =	sor.u32 $0xD0000000, s2;
	s6 =	simm.s32 $0x108;
	_ =	swait.ge @!p0 [sflag:s8], $0x0  }
0x24: {  	s3 =	sadd.s32 $0x88, s3;
	s6 =	simm.s32 @!p1 $0x1082;
	[sflag:s4] =	ssyncset.s32 $0xFFFFF086  }
0x25: {  	[simem:s6], [sflag:s4] =	dma.local [hbm:s3], $0xF7A  }
0x26: {  	[smem:$0x3F9C] =	sst s1;
	(tag) =	ssettag s2;
	_ =	strace s9  }
0x27: {  	s1 =	sld [smem:$0x3FAC]  }
0x28: {  	s2 =	sld [smem:$0x3FAD]  }
0x29: {  	s4 =	sld [smem:$0x3FAF]  }
0x2a: {  	p0 =	seq.s32 s5, $0x0;
	s5 =	sld [smem:$0x3FB0]  }
0x2b: {  	s6 =	sld [smem:$0x3FB1]  }
0x2c: {  	s7 =	sld [smem:$0x3FB2]  }
0x2d: {  	s3 =	simm.s32 $0x108;
	s8 =	sld [smem:$0x3FB3]  }
0x2e: {  	s3 =	simm.s32 @!p0 $0x1082;
	s9 =	sld [smem:$0x3FB4]  }
0x2f: {  	lr =	sadd.s32 s0, s3;
	s0 =	sld [smem:$0x3FAB]  }
0x30: {  	s3 =	sld [smem:$0x3FAE]  }
0x31: {  	[smem:$0x3FB7] =	sst s10  }
0x32: {  	s10 =	sld [smem:$0x3FB5];
	_ =	sdelay $0x3  }
0x33: {  	p0 =	seq.s32 s10, $0x1;
	s10 =	sld [smem:$0x3FB7];
	_ =	sdelay $0x3  }
0x34: {  	[smem:$0x3FB7] =	sst s10  }
0x35: {  	s10 =	sld [smem:$0x3FB6];
	_ =	sdelay $0x3  }
0x36: {  	p1 =	seq.s32 s10, $0x1;
	s10 =	sld [smem:$0x3FB7];
	_ =	sdelay $0x3  }
0x37: {  	[smem:$0x3FB7] =	sst s10  }
0x38: {  	s10 =	sld [smem:$0x3FB8]  }
0x39: {  	_ = 	snop;
	(pc) =	sbr.ind lr, $3  }
0x3a: {  	_ = 	snop  }
0x3b: {  	_ = 	snop  }
0x3c: {  	p2 =	seq.s32 s10, $0x1;
	s10 =	sld [smem:$0x3FB7]  }
0x3d: {  	_ =	shalt  }
0x3e: {  	_ =	shalt  }
0x3f: {  	_ =	shalt  }
0x40: {  	_ =	shalt  }
0x41: {  	_ =	shalt  }
0x42: {  	_ =	shalt  }
0x43: {  	_ =	shalt  }
0x44: {  	_ =	shalt  }
0x45: {  	_ =	shalt  }
0x46: {  	_ =	shalt  }
0x47: {  	_ =	shalt  }
0x48: {  	_ =	shalt  }
0x49: {  	_ =	shalt  }
0x4a: {  	_ =	shalt  }
0x4b: {  	_ =	shalt  }
0x4c: {  	_ =	shalt  }
0x4d: {  	_ =	shalt  }
0x4e: {  	_ =	shalt  }
0x4f: {  	_ =	shalt  }
0x50: {  	_ =	shalt  }
0x51: {  	_ =	shalt  }
0x52: {  	_ =	shalt  }
0x53: {  	_ =	shalt  }
0x54: {  	_ =	shalt  }
0x55: {  	_ =	shalt  }
0x56: {  	_ =	shalt  }
0x57: {  	_ =	shalt  }
0x58: {  	_ =	shalt  }
0x59: {  	_ =	shalt  }
0x5a: {  	_ =	shalt  }
0x5b: {  	_ =	shalt  }
0x5c: {  	_ =	shalt  }
0x5d: {  	_ =	shalt  }
0x5e: {  	_ =	shalt  }
0x5f: {  	_ =	shalt  }
0x60: {  	_ =	shalt  }
0x61: {  	_ =	shalt  }
0x62: {  	_ =	shalt  }
0x63: {  	_ =	shalt  }
0x64: {  	_ =	shalt  }
0x65: {  	_ =	shalt  }
0x66: {  	_ =	shalt  }
0x67: {  	_ =	shalt  }
0x68: {  	_ =	shalt  }
0x69: {  	_ =	shalt  }
0x6a: {  	_ =	shalt  }
0x6b: {  	_ =	shalt  }
0x6c: {  	_ =	shalt  }
0x6d: {  	_ =	shalt  }
0x6e: {  	_ =	shalt  }
0x6f: {  	_ =	shalt  }
0x70: {  	_ =	shalt  }
0x71: {  	_ =	shalt  }
0x72: {  	_ =	shalt  }
0x73: {  	_ =	shalt  }
0x74: {  	_ =	shalt  }
0x75: {  	_ =	shalt  }
0x76: {  	_ =	shalt  }
0x77: {  	_ =	shalt  }
0x78: {  	_ =	shalt  }
0x79: {  	_ =	shalt  }
0x7a: {  	_ =	shalt  }
0x7b: {  	_ =	shalt  }
0x7c: {  	_ =	shalt  }
0x7d: {  	_ =	shalt  }
0x7e: {  	_ =	shalt  }
0x7f: {  	_ =	shalt  }
0x80: {  	_ =	shalt  }
0x81: {  	_ =	shalt  }
0x82: {  	_ =	shalt  }
0x83: {  	_ =	shalt  }
0x84: {  	_ =	shalt  }
0x85: {  	_ =	shalt  }
0x86: {  	_ =	shalt  }
0x87: {  	_ =	shalt  }
.Lfunc_end0:
.L_simem_size_0:
called_computation_lowered:
.L_overlay_start_0:
0x88: {  	s2 =	sld [smem:$0x3FD9]  }
0x89: {  	s3 =	sld [smem:$0x3FFE];
	_ =	sdelay $0x1  }
0x8a: {  	s1 =	srdreg.scid  }
0x8b: {  	s0 =	sand.u32 $0x1, s1  }
0x8c: {  	s17 =	sshll.u32 s0, $0xA;
	s2 =	sadd.s32 s3, s2  }
0x8d: {  	s2 =	sadd.s32 s2, s17  }
0x8e: {  	[smem:$0x3FC3] =	sst s2  }
0x8f: {  	_ = 	snop  }
0x90: {  	s2 =	sld [smem:$0x3FC9]  }
0x91: {  	s18 =	sld [smem:$0x3FC8]  }
0x92: {  	s4 =	sld [smem:$0x3FD0];
	(tm) =	ssettm $0x1  }
0x93: {  	s5 =	sld [smem:$0x3FFB];
	_ =	sdelay $0x3  }
0x94: {  	_ =	strace s5  }
0x95: {  	s5 =	sld [smem:$0x3FFC];
	_ =	sdelay $0x3  }
0x96: {  	_ =	strace s5  }
0x97: {  	s5 =	sld [smem:$0x3FFD];
	_ =	sdelay $0x3  }
0x98: {  	_ =	strace s5  }
0x99: {  	_ =	strace $0x8FFFFFFF  }
0x9a: {  	s19 =	sld [smem:$0x3FDB];
	_ =	sdelay $0x1  }
0x9b: {  	s6 =	simm.s32 $_scs_section_size  }
0x9c: {  	s7 =	simm.s32 $_size__tile_overlayer_lowered;
	s8 =	simm.s32 $_tile_overlayer_lowered  }
0x9d: {  	s22 =	simm.s32 $0x1BFF;
	s21 =	sshll.u32 s8, $0x1;
	s5 =	sadd.s32 s6, s19  }
0x9e: {  	s9 =	simm.s32 $0x0;
	s20 =	sshll.u32 s7, $0x1;
	s7 =	sadd.s32 s21, s5  }
0x9f: {  	[timem:s9], [sflag:s22] =	dma.local [hbm:s7], s20  }
0xa0: {  	_ =	swait.ge [sflag:s22], s20  }
0xa1: {  	s6 =	ssub.s32 $0x0, s20;
	[sflag:s22] =	ssyncset.done $0x0  }
0xa2: {  	[sflag:s22] =	ssyncadd.s32 s6;
	_ =	sdelay $0x1  }
0xa3: {  	s23 =	simm.s32 $0x1B8B  }
0xa4: {  	_ =	swait.ge [sflag:s23], $0x1  }
0xa5: {  	[sflag:s23] =	ssyncset.done $0x0  }
0xa6: {  	s25 =	simm.s32 $0x1B8E;
	s24 =	sld [smem:$0x3FFE];
	[sflag:s23] =	ssyncadd.s32 $0xFFFFFFFF  }
0xa7: {  	s26 =	simm.s32 $execute0_lowered;
	[smem:$0x3FD2] =	sst s25  }
0xa8: {  	s7 =	sshll.u32 s26, $0x1;
	_ =	strace $0x80000046;
	[dreg:$0x1] =	wrdreg $0xFFFFFFFF  }
0xa9: {  	s28 =	simm.s32 $_size_execute0_lowered;
	s5 =	sadd.s32 s5, s7;
	[dreg:$0x0] =	wrdreg $0x0  }
0xaa: {  	s7 =	sshll.u32 s28, $0x1;
	[dreg:$0x2] =	wrdreg s5  }
0xab: {  	[dreg:$0x3] =	wrdreg s7  }
0xac: {  	[dreg:$0x4] =	wrdreg $0xC0  }
0xad: {  	_ =	task [dreg:s9], $0x5FFFF  }
0xae: {  	[dreg:$0x1] =	wrdreg $0xFFFFFFFF  }
0xaf: {  	[dreg:$0x0] =	wrdreg $0x60  }
0xb0: {  	[dreg:$0x2] =	wrdreg s2  }
0xb1: {  	[dreg:$0x3] =	wrdreg s18  }
0xb2: {  	[dreg:$0x4] =	wrdreg s4  }
0xb3: {  	[dreg:$0x5] =	wrdreg s24  }
0xb4: {  	[dreg:$0x6] =	wrdreg $0x0  }
0xb5: {  	[dreg:$0x7] =	wrdreg $0x9  }
0xb6: {  	_ =	task.clear_ibuf [dreg:s9], $0x8FFFF;
	_ =	strace $0x90000046  }
0xb7: {  	s29 =	simm.s32 $0x9;
	_ =	strace $0x80000048  }
0xb8: {  	_ =	swait.ge [sflag:s29], $0x1  }
0xb9: {  	[sflag:s29] =	ssyncadd.s32 $0xFFFFFFFF  }
0xba: {  	_ =	strace $0x90000048  }
0xbb: {  	_ =	sfence  }
0xbc: {  	s30 =	sld [smem:$0x0];
	_ =	sdelay $0x2  }
0xbd: {  	s31 =	sshll.u32 s1, $0xD;
	s1 =	sshrl.u32 s1, $0x2  }
0xbe: {  	s3 =	sand.u32 $0x4000, s31;
	s1 =	sadd.s32 s1, s30  }
0xbf: {  	s0 =	sor.u32 s3, s0;
	s1 =	sshll.u32 s1, $0x11  }
0xc0: {  	s0 =	sor.u32 s1, s0  }
0xc1: {  	s0 =	sadd.s32 $0x8F2B, s0  }
0xc2: {  	[sflag:s0] =	ssyncadd.remote.s32 $0x1  }
0xc3: {  	_ =	sfence.sel $0xFFFF  }
0xc4: {  	[dreg:$0x0] =	wrdreg $0xFFFFFFFF;
	(pc) =	sbr.abs _section_cstart, $3  }
0xc5: {  	[dreg:$0x1] =	wrdreg $0xFFFFFFFF  }
0xc6: {  	_ =	task.clear_ibuf [dreg:s9], $0x2FFFF;
	_ =	strace $0x9FFFFFFF  }
0xc7: {  	(tm) =	ssettm $0x7FFFFFFF  }
tec
execute0_lowered:
.L_overlay_start_1:
0x0: {  	(tag) =	ssettag $0x1  }
0x1: {  	s0 =	rddreg [dreg:$0x0]  }
0x2: {  	s1 =	rddreg [dreg:$0x1]  }
0x3: {  	s2 =	rddreg [dreg:$0x2]  }
0x4: {  	s3 =	rddreg [dreg:$0x3]  }
0x5: {  	s4 =	rddreg [dreg:$0x4];
	s6 =	srdreg.scid  }
0x6: {  	s17 =	stileid.u32;
	s5 =	simm.s32 $0x0;
	s7 =	sand.u32 $0x1, s6  }
0x7: {  	s23 =	sshll.u32 s17, $0x1;
	[smem:$0x7FF] =	sst s5;
	s29 =	smul.u32 $0x14000, s17  }
0x8: {  	s3 =	sadd.s32 $0xE00, s3;
	s31 =	smul.u32 $0x50000, s17;
	s21 =	sshll.u32 s17, $0xC  }
0x9: {  	s22 =	sshll.u32 s17, $0x8;
	s8 =	ssub.s32 $0x2, s7;
	s9 =	sor.u32 s7, s23  }
0xa: {  	_ =	strace $0x80000047;
	s30 =	smul.u32 $0x140000, s7;
	s23 =	sshll.u32 s7, $0x7  }
0xb: {  	s7 =	sshll.u32 s7, $0xB;
	s24 =	sshrl.u32 s8, $0x1;
	s10 =	ssub.s32 $0x9E3, s9  }
0xc: {  	s25 =	sshll.u32 s9, $0xB;
	s11 =	sshll.u32 s9, $0x4;
	s9 =	sshll.u32 s9, $0x7  }
0xd: {  	s12 =	sadd.s32 $0x4000, s29;
	s13 =	sadd.s32 $0x8000, s29;
	s14 =	sadd.s32 $0xC000, s29  }
0xe: {  	s8 =	ssub.s32 s8, s24;
	s6 =	sshrl.u32 s10, $0x5;
	s10 =	sadd.s32 s0, s25  }
0xf: {  	s26 =	sadd.s32 s1, s11;
	s9 =	sor.u32 $0x1000, s9;
	s15 =	sadd.s32 s29, s30  }
0x10: {  	s16 =	sadd.s32 s30, s12;
	s11 =	sadd.s32 $0x10000, s29;
	s18 =	sadd.s32 s30, s13  }
0x11: {  	s19 =	sadd.s32 s30, s14;
	s24 =	sshll.u32 s17, $0x6;
	[dreg:$0x6] =	wrdreg s10  }
0x12: {  	s25 =	sadd.s32 s12, s4;
	[dreg:$0x7] =	wrdreg s26;
	s28 =	sshll.u32 s9, $0x4  }
0x13: {  	s9 =	sshrl.u32 s9, $0x3;
	[dreg:$0x10] =	wrdreg s25;
	s26 =	sadd.s32 s13, s4  }
0x14: {  	s15 =	sshrl.u32 s15, $0x3;
	s29 =	sadd.s32 s11, s4;
	[dreg:$0x11] =	wrdreg s26  }
0x15: {  	s16 =	sshrl.u32 s16, $0x3;
	s8 =	smax.u32 s8, $0x1;
	[dreg:$0x13] =	wrdreg s29  }
0x16: {  	s20 =	sshrl.u32 s19, $0x3;
	s10 =	sadd.s32 s0, s28;
	[dreg:$0x14] =	wrdreg s8  }
0x17: {  	s17 =	sor.u32 $0x1C05, s24;
	s9 =	sadd.s32 s1, s9;
	[dreg:$0x8] =	wrdreg s10  }
0x18: {  	s15 =	sadd.s32 s3, s15;
	s16 =	sadd.s32 s3, s16;
	[dreg:$0x9] =	wrdreg s9  }
0x19: {  	s0 =	sadd.s32 s21, s0;
	s28 =	sadd.s32 s14, s4;
	[dreg:$0xa] =	wrdreg s15  }
0x1a: {  	[dreg:$0xb] =	wrdreg s16;
	s15 =	sshrl.u32 s18, $0x3;
	s9 =	sadd.s32 s30, s11  }
0x1b: {  	s10 =	sshrl.u32 s31, $0x2;
	[dreg:$0x12] =	wrdreg s28;
	s15 =	sadd.s32 s3, s15  }
0x1c: {  	s9 =	sshrl.u32 s9, $0x3;
	s10 =	sadd.s32 s10, s4;
	[dreg:$0xc] =	wrdreg s15  }
0x1d: {  	s15 =	sadd.s32 s3, s20;
	s3 =	sadd.s32 s3, s9;
	[dreg:$0xf] =	wrdreg s10  }
0x1e: {  	s26 =	sadd.s32 $0xFFFFFFFF, s6;
	[dreg:$0xe] =	wrdreg s3;
	s3 =	sor.u32 s23, s22  }
0x1f: {  	s0 =	sadd.s32 s7, s0;
	[dreg:$0xd] =	wrdreg s15;
	s30 =	sor.u32 $0x3000, s3  }
0x20: {  	s15 =	sadd.s32 $0x30000, s0;
	s0 =	simm.s32 $0x5;
	s31 =	sshrl.u32 s30, $0x3  }
0x21: {  	s25 =	sor.u32 $0x2000, s3;
	s3 =	simm.s32 $0x0;
	s14 =	sadd.s32 s31, s1  }
.LBB2_1:
0x22: {  	s7 =	rddreg [dreg:$0x6]  }
0x23: {  	s8 =	simm.s32 $0x14000;
	s11 =	rddreg [dreg:$0x7]  }
0x24: {  	[tilespmem:s8], [sflag:$0x1] =	stream.linear.gather [hbm4b:s7+s5], $0x4000, $0x38;
	[tilespmem:$0x1C100] =	vst v63  }
0x25: {  	s12 =	simm.s32 $0x1C000;
	s13 =	rddreg [dreg:$0x8]  }
0x26: {  	[tilespmem:s12], [sflag:$0x3] =	stream.linear.gather [hbm4b:s11+s5], $0x80, $0x38;
	[tilespmem:$0x1C100] =	vst v63  }
0x27: {  	s16 =	simm.s32 $0x18000;
	s20 =	rddreg [dreg:$0xf]  }
0x28: {  	[tilespmem:s16], [sflag:$0x2] =	stream.linear.gather [hbm4b:s13+s5], $0x4000, $0x38;
	[tilespmem:$0x1C100] =	vst v63  }
0x29: {  	s18 =	rddreg [dreg:$0x9];
	s19 =	simm.s32 $0x1C080;
	s28 =	sshrl.u32 s20, $0x3  }
0x2a: {  	[tilespmem:s19], [sflag:$0x4] =	stream.linear.gather [hbm4b:s18+s5], $0x80, $0x38;
	[tilespmem:$0x1C100] =	vst v63  }
0x2b: {  	[spmem:s28], [sflag:s17] =	dma.local [hbm:s2], $0x800  }
0x2c: {  	s21 =	rddreg [dreg:$0x10]  }
0x2d: {  	s29 =	sshrl.u32 s21, $0x3  }
0x2e: {  	[spmem:s29], [sflag:s17] =	dma.local [hbm:s2], $0x800  }
0x2f: {  	s22 =	rddreg [dreg:$0x11]  }
0x30: {  	s30 =	sshrl.u32 s22, $0x3  }
0x31: {  	[spmem:s30], [sflag:s17] =	dma.local [hbm:s2], $0x800  }
0x32: {  	s23 =	rddreg [dreg:$0x12]  }
0x33: {  	s31 =	sshrl.u32 s23, $0x3  }
0x34: {  	[spmem:s31], [sflag:s17] =	dma.local [hbm:s2], $0x800  }
0x35: {  	s24 =	rddreg [dreg:$0x13]  }
0x36: {  	s7 =	sshrl.u32 s24, $0x3  }
0x37: {  	[spmem:s7], [sflag:s17] =	dma.local [hbm:s2], $0x800  }
0x38: {  	_ =	swait.ge [sflag:s0], $0x800  }
0x39: {  	[sflag:s0] =	ssyncset.done $0x0  }
0x3a: {  	[sflag:s0] =	ssyncadd.s32 $0xFFFFF800  }
0x3b: {  	_ =	swait.ge [sflag:s0], $0x800  }
0x3c: {  	[sflag:s0] =	ssyncset.done $0x0  }
0x3d: {  	[sflag:s0] =	ssyncadd.s32 $0xFFFFF800  }
0x3e: {  	_ =	swait.ge [sflag:s0], $0x800  }
0x3f: {  	[sflag:s0] =	ssyncset.done $0x0  }
0x40: {  	[sflag:s0] =	ssyncadd.s32 $0xFFFFF800  }
0x41: {  	_ =	swait.ge [sflag:s0], $0x800  }
0x42: {  	[sflag:s0] =	ssyncset.done $0x0  }
0x43: {  	[sflag:s0] =	ssyncadd.s32 $0xFFFFF800  }
0x44: {  	_ =	swait.ge [sflag:s0], $0x800  }
0x45: {  	[sflag:s0] =	ssyncset.done $0x0  }
0x46: {  	p0 =	sle.u32 s6, $0x0;
	[sflag:s0] =	ssyncadd.s32 $0xFFFFF800  }
0x47: {  	s8 =	simm.s32 @!p0 $0x1;
	[bflag:$0x0] =	sbarrier.arrive $0xFFFF  }
0x48: {  	_ =	swait.ge @!p0 [sflag:s8], $0x4000  }
0x49: {  	[sflag:s8] =	ssyncset.done @!p0 $0x0  }
0x4a: {  	s9 =	simm.s32 @!p0 $0x3;
	[sflag:s8] =	ssyncadd.s32 @!p0 $0xFFFFC000  }
0x4b: {  	p1 =	sle.u32 @!p0 s6, $0x2;
	_ =	swait.ge @!p0 [sflag:s9], $0x80  }
0x4c: {  	s10 =	simm.s32 @!p0 $0x6;
	s11 =	simm.s32 @!p0 $0x80;
	[sflag:s9] =	ssyncset.done @!p0 $0x0  }
0x4d: {  	s12 =	simm.s32 @!p0 $0x1C000;
	s8 =	simm.s32 @!p0 $0x14000;
	[sflag:s9] =	ssyncadd.s32 @!p0 $0xFFFFFF80  }
0x4e: {  	[spmem:s4] =	stream.indirect.scatter.add.f32 @!p0 [tilespmem:s8], [sflag:$0x6], $0x80, s12, s11, $0xb8;
	[tilespmem:$0x1C100] =	vst v63  }
0x4f: {  	p2 =	por p1, p0;
	_ =	swait.ge @!p0 [sflag:s10], $0x4000  }
0x50: {  	s9 =	simm.s32 @!p2 $0x0;
	s8 =	sadd.s32 @!p2 $0xFFFF0000, s15;
	[sflag:s10] =	ssyncset.done @!p0 $0x0  }
0x51: {  	s11 =	sshrl.u32 @!p2 s25, $0x3;
	[sflag:s10] =	ssyncadd.s32 @!p0 $0xFFFFC000;
	s10 =	simm.s32 @!p2 $0x14000  }
0x52: {  	[tilespmem:s10], [sflag:$0x1] =	stream.linear.gather @!p2 [hbm4b:s8+s9], $0x4000, $0x38;
	[tilespmem:$0x1C100] =	vst v63  }
0x53: {  	p1 =	sle.u32 s26, $0x0;
	s8 =	sadd.s32 @!p2 s1, s11;
	s10 =	simm.s32 @!p2 $0x1C000  }
0x54: {  	[tilespmem:s10], [sflag:$0x3] =	stream.linear.gather @!p2 [hbm4b:s8+s9], $0x80, $0x38;
	[tilespmem:$0x1C100] =	vst v63  }
0x55: {  	s9 =	simm.s32 @!p1 $0x2  }
0x56: {  	_ =	swait.ge @!p1 [sflag:s9], $0x4000  }
0x57: {  	s13 =	simm.s32 @!p1 $0x80;
	s16 =	simm.s32 @!p1 $0x1C080;
	[sflag:s9] =	ssyncset.done @!p1 $0x0  }
0x58: {  	s23 =	smov.u32 s15;
	s10 =	simm.s32 @!p1 $0x4;
	[sflag:s9] =	ssyncadd.s32 @!p1 $0xFFFFC000  }
0x59: {  	s24 =	smov.u32 s14;
	s12 =	simm.s32 $0x7;
	_ =	swait.ge @!p1 [sflag:s10], $0x80  }
0x5a: {  	p0 =	sle.u32 @!p1 s6, $0x3;
	s11 =	sadd.s32 $0x2000, s25;
	[sflag:s10] =	ssyncset.done @!p1 $0x0  }
0x5b: {  	p3 =	por p0, p1;
	s9 =	simm.s32 @!p1 $0x18000;
	[sflag:s10] =	ssyncadd.s32 @!p1 $0xFFFFFF80  }
0x5c: {  	[spmem:s4] =	stream.indirect.scatter.add.f32 @!p1 [tilespmem:s9], [sflag:$0x6], $0x80, s16, s13, $0xb8;
	[tilespmem:$0x1C100] =	vst v63  }
0x5d: {  	s8 =	simm.s32 $0x5;
	s10 =	sadd.s32 $0x20000, s15;
	s16 =	simm.s32 @!p1 $0x6  }
0x5e: {  	s9 =	sadd.s32 $0x400, s14;
	s13 =	simm.s32 $0x2;
	_ =	swait.ge @!p1 [sflag:s16], $0x4000  }
.LBB2_2:
0x5f: {  	p2 =	sge.u32 s13, s6  }
0x60: {  	[sflag:s16] =	ssyncset.done @!p1 $0x0;
	s18 =	simm.s32 @!p3 $0x18000;
	s19 =	smov.u32 s12  }
0x61: {  	s20 =	simm.s32 @!p3 $0x1C080;
	[sflag:s16] =	ssyncadd.s32 @!p1 $0xFFFFC000;
	s16 =	simm.s32 @!p3 $0x0  }
0x62: {  	[tilespmem:s18], [sflag:$0x2] =	stream.linear.gather @!p3 [hbm4b:s23+s16], $0x4000, $0x38;
	[tilespmem:$0x1C100] =	vst v63  }
0x63: {  	s12 =	sadd.s32 $0x2, s12;
	s18 =	simm.s32 @!p2 $0x1;
	s23 =	sadd.s32 @!p2 $0xFFFFFFFF, s8  }
0x64: {  	[tilespmem:s20], [sflag:$0x4] =	stream.linear.gather @!p3 [hbm4b:s24+s16], $0x80, $0x38;
	[tilespmem:$0x1C100] =	vst v63  }
0x65: {  	p0 =	sne.s32 s12, $0x53;
	p1 =	sge.u32 @!p2 s23, s6;
	_ =	swait.ge @!p2 [sflag:s18], $0x4000  }
0x66: {  	s16 =	simm.s32 @!p2 $0x3;
	s24 =	smov.u32 s9;
	[sflag:s18] =	ssyncset.done @!p2 $0x0  }
0x67: {  	s23 =	smov.u32 s10;
	[sflag:s18] =	ssyncadd.s32 @!p2 $0xFFFFC000  }
0x68: {  	s20 =	simm.s32 @!p2 $0x6;
	s18 =	simm.s32 @!p2 $0x14000;
	_ =	swait.ge @!p2 [sflag:s16], $0x80  }
0x69: {  	s21 =	simm.s32 @!p2 $0x80;
	s22 =	simm.s32 @!p2 $0x1C000;
	[sflag:s16] =	ssyncset.done @!p2 $0x0  }
0x6a: {  	[sflag:s16] =	ssyncadd.s32 @!p2 $0xFFFFFF80  }
0x6b: {  	[spmem:s4] =	stream.indirect.scatter.add.f32 @!p2 [tilespmem:s18], [sflag:$0x6], $0x80, s22, s21, $0xb8;
	[tilespmem:$0x1C100] =	vst v63  }
0x6c: {  	p3 =	por p1, p2;
	_ =	swait.ge @!p2 [sflag:s20], $0x4000  }
0x6d: {  	s16 =	sadd.s32 @!p3 $0xFFFF0000, s10;
	s18 =	simm.s32 @!p3 $0x0;
	[sflag:s20] =	ssyncset.done @!p2 $0x0  }
0x6e: {  	s21 =	sshrl.u32 @!p3 s11, $0x3;
	[sflag:s20] =	ssyncadd.s32 @!p2 $0xFFFFC000;
	s20 =	simm.s32 @!p3 $0x14000  }
0x6f: {  	[tilespmem:s20], [sflag:$0x1] =	stream.linear.gather @!p3 [hbm4b:s16+s18], $0x4000, $0x38;
	[tilespmem:$0x1C100] =	vst v63  }
0x70: {  	p1 =	sge.u32 s13, s26;
	s16 =	sadd.s32 @!p3 s1, s21;
	s20 =	simm.s32 @!p3 $0x1C000  }
0x71: {  	[tilespmem:s20], [sflag:$0x3] =	stream.linear.gather @!p3 [hbm4b:s16+s18], $0x80, $0x38;
	[tilespmem:$0x1C100] =	vst v63  }
0x72: {  	s13 =	simm.s32 @!p1 $0x2;
	p2 =	sge.u32 @!p1 s8, s6;
	s8 =	smov.u32 s19  }
0x73: {  	_ =	swait.ge @!p1 [sflag:s13], $0x4000  }
0x74: {  	s16 =	simm.s32 @!p1 $0x4;
	[sflag:s13] =	ssyncset.done @!p1 $0x0  }
0x75: {  	s9 =	sadd.s32 $0x400, s9;
	s11 =	sadd.s32 $0x2000, s11;
	[sflag:s13] =	ssyncadd.s32 @!p1 $0xFFFFC000  }
.Ltmp0:
0x76: {  	s13 =	simm.s32 @!p1 $0x18000;
	_ =	swait.ge @!p1 [sflag:s16], $0x80;
	(pc) =	sbr.rel @p0 .LBB2_2-.Ltmp0, $4  }
0x77: {  	s19 =	simm.s32 @!p1 $0x1C080;
	s18 =	simm.s32 @!p1 $0x80;
	[sflag:s16] =	ssyncset.done @!p1 $0x0  }
0x78: {  	s10 =	sadd.s32 $0x20000, s10;
	[sflag:s16] =	ssyncadd.s32 @!p1 $0xFFFFFF80;
	s16 =	simm.s32 @!p1 $0x6  }
0x79: {  	[spmem:s4] =	stream.indirect.scatter.add.f32 @!p1 [tilespmem:s13], [sflag:$0x6], $0x80, s19, s18, $0xb8;
	[tilespmem:$0x1C100] =	vst v63  }
0x7a: {  	p3 =	por p2, p1;
	s13 =	sadd.s32 $0xFFFFFFFD, s8;
	_ =	swait.ge @!p1 [sflag:s16], $0x4000  }
0x7b: {  	[sflag:s16] =	ssyncset.done @!p1 $0x0  }
0x7c: {  	s12 =	simm.s32 @!p3 $0x18000;
	[sflag:s16] =	ssyncadd.s32 @!p1 $0xFFFFC000;
	s16 =	simm.s32 @!p3 $0x0  }
0x7d: {  	[tilespmem:s12], [sflag:$0x2] =	stream.linear.gather @!p3 [hbm4b:s23+s16], $0x4000, $0x38;
	[tilespmem:$0x1C100] =	vst v63  }
0x7e: {  	p0 =	sge.u32 s13, s6;
	s12 =	simm.s32 @!p3 $0x1C080  }
0x7f: {  	[tilespmem:s12], [sflag:$0x4] =	stream.linear.gather @!p3 [hbm4b:s24+s16], $0x80, $0x38;
	[tilespmem:$0x1C100] =	vst v63  }
0x80: {  	s12 =	simm.s32 @!p0 $0x1  }
0x81: {  	_ =	swait.ge @!p0 [sflag:s12], $0x4000  }
0x82: {  	[sflag:s12] =	ssyncset.done @!p0 $0x0  }
0x83: {  	s16 =	simm.s32 @!p0 $0x3;
	[sflag:s12] =	ssyncadd.s32 @!p0 $0xFFFFC000  }
0x84: {  	_ =	swait.ge @!p0 [sflag:s16], $0x80  }
0x85: {  	s18 =	simm.s32 @!p0 $0x80;
	[sflag:s16] =	ssyncset.done @!p0 $0x0  }
0x86: {  	s12 =	simm.s32 @!p0 $0x14000;
	[sflag:s16] =	ssyncadd.s32 @!p0 $0xFFFFFF80;
	s16 =	simm.s32 @!p0 $0x1C000  }
0x87: {  	[spmem:s4] =	stream.indirect.scatter.add.f32 @!p0 [tilespmem:s12], [sflag:$0x6], $0x80, s16, s18, $0xb8;
	[tilespmem:$0x1C100] =	vst v63  }
0x88: {  	s12 =	sadd.s32 @!p0 $0xFFFFFFFF, s8  }
0x89: {  	p1 =	sge.u32 @!p0 s12, s6;
	s12 =	simm.s32 @!p0 $0x6  }
0x8a: {  	_ =	swait.ge @!p0 [sflag:s12], $0x4000;
	p1 =	por p1, p0  }
0x8b: {  	[sflag:s12] =	ssyncset.done @!p0 $0x0;
	s16 =	sadd.s32 @!p1 $0xFFFF0000, s10;
	s18 =	simm.s32 @!p1 $0x0  }
0x8c: {  	s11 =	sshrl.u32 @!p1 s11, $0x3;
	[sflag:s12] =	ssyncadd.s32 @!p0 $0xFFFFC000;
	s12 =	simm.s32 @!p1 $0x14000  }
0x8d: {  	[tilespmem:s12], [sflag:$0x1] =	stream.linear.gather @!p1 [hbm4b:s16+s18], $0x4000, $0x38;
	[tilespmem:$0x1C100] =	vst v63  }
0x8e: {  	s11 =	sadd.s32 @!p1 s1, s11;
	p0 =	sge.u32 s13, s26;
	s12 =	simm.s32 @!p1 $0x1C000  }
0x8f: {  	[tilespmem:s12], [sflag:$0x3] =	stream.linear.gather @!p1 [hbm4b:s11+s18], $0x80, $0x38;
	[tilespmem:$0x1C100] =	vst v63  }
0x90: {  	s11 =	simm.s32 @!p0 $0x2  }
0x91: {  	_ =	swait.ge @!p0 [sflag:s11], $0x4000  }
0x92: {  	[sflag:s11] =	ssyncset.done @!p0 $0x0  }
0x93: {  	s12 =	simm.s32 @!p0 $0x4;
	[sflag:s11] =	ssyncadd.s32 @!p0 $0xFFFFC000  }
0x94: {  	_ =	swait.ge @!p0 [sflag:s12], $0x80  }
0x95: {  	s13 =	simm.s32 @!p0 $0x80;
	[sflag:s12] =	ssyncset.done @!p0 $0x0  }
0x96: {  	s11 =	simm.s32 @!p0 $0x18000;
	[sflag:s12] =	ssyncadd.s32 @!p0 $0xFFFFFF80;
	s12 =	simm.s32 @!p0 $0x1C080  }
0x97: {  	[spmem:s4] =	stream.indirect.scatter.add.f32 @!p0 [tilespmem:s11], [sflag:$0x6], $0x80, s12, s13, $0xb8;
	[tilespmem:$0x1C100] =	vst v63  }
0x98: {  	s11 =	simm.s32 @!p0 $0x6  }
0x99: {  	p1 =	sge.u32 @!p0 s8, s6;
	_ =	swait.ge @!p0 [sflag:s11], $0x4000  }
0x9a: {  	p1 =	por p1, p0;
	[sflag:s11] =	ssyncset.done @!p0 $0x0  }
0x9b: {  	s8 =	simm.s32 @!p1 $0x18000;
	[sflag:s11] =	ssyncadd.s32 @!p0 $0xFFFFC000;
	s11 =	simm.s32 @!p1 $0x0  }
0x9c: {  	[tilespmem:s8], [sflag:$0x2] =	stream.linear.gather @!p1 [hbm4b:s10+s11], $0x4000, $0x38;
	[tilespmem:$0x1C100] =	vst v63  }
0x9d: {  	s8 =	simm.s32 @!p1 $0x1C080  }
0x9e: {  	[tilespmem:s8], [sflag:$0x4] =	stream.linear.gather @!p1 [hbm4b:s9+s11], $0x80, $0x38;
	[tilespmem:$0x1C100] =	vst v63  }
0x9f: {  	[bflag:$0x0] =	sbarrier.arrive $0xFFFF  }
0xa0: {  	s24 =	rddreg [dreg:$0xa]  }
0xa1: {  	[hbm:s24], [sflag:s17] =	dma.local [spmem:s28], $0x800  }
0xa2: {  	s8 =	rddreg [dreg:$0xb]  }
0xa3: {  	[hbm:s8], [sflag:s17] =	dma.local [spmem:s29], $0x800  }
0xa4: {  	s8 =	rddreg [dreg:$0xc]  }
0xa5: {  	[hbm:s8], [sflag:s17] =	dma.local [spmem:s30], $0x800  }
0xa6: {  	s8 =	rddreg [dreg:$0xd]  }
0xa7: {  	[hbm:s8], [sflag:s17] =	dma.local [spmem:s31], $0x800  }
0xa8: {  	s8 =	rddreg [dreg:$0xe]  }
0xa9: {  	[hbm:s8], [sflag:s17] =	dma.local [spmem:s7], $0x800  }
0xaa: {  	_ =	swait.ge [sflag:s0], $0x800  }
0xab: {  	[sflag:s0] =	ssyncset.done $0x0  }
0xac: {  	[sflag:s0] =	ssyncadd.s32 $0xFFFFF800  }
0xad: {  	_ =	swait.ge [sflag:s0], $0x800  }
0xae: {  	[sflag:s0] =	ssyncset.done $0x0  }
0xaf: {  	[sflag:s0] =	ssyncadd.s32 $0xFFFFF800  }
0xb0: {  	_ =	swait.ge [sflag:s0], $0x800  }
0xb1: {  	[sflag:s0] =	ssyncset.done $0x0  }
0xb2: {  	[sflag:s0] =	ssyncadd.s32 $0xFFFFF800  }
0xb3: {  	_ =	swait.ge [sflag:s0], $0x800  }
0xb4: {  	[sflag:s0] =	ssyncset.done $0x0  }
0xb5: {  	[sflag:s0] =	ssyncadd.s32 $0xFFFFF800  }
0xb6: {  	_ =	swait.ge [sflag:s0], $0x800  }
0xb7: {  	s3 =	sadd.s32 $0x1, s3;
	s31 =	rddreg [dreg:$0x14]  }
0xb8: {  	p0 =	sne.s32 s3, s31  }
.Ltmp1:
0xb9: {  	_ = 	snop;
	(pc) =	sbr.rel @p0 .LBB2_1-.Ltmp1, $3  }
0xba: {  	_ =	sdelay $0x1  }
0xbb: {  	[sflag:s0] =	ssyncset.done $0x0  }
0xbc: {  	[sflag:s0] =	ssyncadd.s32 $0xFFFFF800  }
0xbd: {  	_ =	sfence.sel $0x180000  }
0xbe: {  	[bflag:$0x0] =	sbarrier.arrive $0xFFFF  }
0xbf: {  	_ =	strace $0x90000047  }
0xc0: {  	s0 =	stileid.u32;
	[bflag:$0x2] =	sbarrier.arrive $0xFFFF  }
0xc1: {  	p0 =	sne.s32 s0, $0x0;
	s0 =	rddreg [dreg:$0x5]  }
0xc2: {  	s0 =	sadd.s32 @!p0 $0x100000, s0  }
0xc3: {  	[sflag:s0] =	ssyncadd.tile.s32 @!p0 $0x1;
	_ =	shalt  }
.Lfunc_end2:
_tile_overlayer_lowered:
.L_overlay_start_2:
0xc4: {  	(tag) =	ssettag $0x2  }
0xc5: {  	s0 =	rddreg [dreg:$0x0];
	s2 =	stileid.u32  }
0xc6: {  	s1 =	rddreg [dreg:$0x1];
	p0 =	sne.s32 s2, $0x0  }
0xc7: {  	s3 =	rddreg [dreg:$0x2];
	[bflag:$0x3] =	sbarrier.arrive $0xFFFF;
	s2 =	simm.s32 @!p0 $0x1C06  }
0xc8: {  	[timem:s3], [sflag:s2] =	dma.local @!p0 [hbm:s0], s1  }
0xc9: {  	s0 =	simm.s32 @!p0 $0x6  }
0xca: {  	_ =	swait.ge @!p0 [sflag:s0], s1  }
0xcb: {  	s1 =	ssub.s32 @!p0 $0x0, s1;
	[sflag:s0] =	ssyncset.done @!p0 $0x0  }
0xcc: {  	[sflag:s0] =	ssyncadd.s32 @!p0 s1  }
0xcd: {  	[bflag:$0x3] =	sbarrier.arrive $0xFFFF  }
0xce: {  	_ =	shalt  }

</sc_bundles>
